<compile_context>
chip_gen: v7x
topology: tpu7x:2x2x1
jax: 0.10.2.dev20260603
libtpu: 0.0.44.dev20260713+nightly
codegen_flags: <defaults>
</compile_context>

<pallas_src>
import jax
import jax.numpy as jnp
from jax import lax
from jax.experimental import pallas as pl
from jax.experimental.pallas import tpu as pltpu
from jax.experimental.pallas import tpu_sc as plsc

EPS = 1e-5
SLOPE = 0.2
KNN = 20
B, CIN, N = 4, 9, 4096
BN_ = B * N
C = 64
ROWT = 512
EDGES = BN_ * KNN

_NW = 32
_PW = BN_ // _NW
_CP = 32
_NCH = _PW // _CP
_IDXROWS = _CP * KNN // 128


def _lrelu(h):
    return jnp.maximum(h, SLOPE * h)


_BIG_VMEM = pltpu.CompilerParams(vmem_limit_bytes=100 * 1024 * 1024)


def _dot16(a, b):
    return jnp.dot(a.astype(jnp.bfloat16), b.astype(jnp.bfloat16),
                   preferred_element_type=jnp.float32)


def _bn_x(h, gamma, beta):
    axes = tuple(i for i in range(h.ndim) if i != 1)
    m = jnp.mean(h, axis=axes, keepdims=True)
    v = jnp.var(h, axis=axes, keepdims=True)
    sh = [1] * h.ndim
    sh[1] = -1
    return (h - m) / jnp.sqrt(v + 1e-5) * gamma.reshape(sh) + beta.reshape(sh)


def _lrelu_x(h):
    return jax.nn.leaky_relu(h, 0.2)


def _graph_feature_x(h, idx):
    ht = jnp.swapaxes(h, 1, 2)
    feat = jax.vmap(lambda a, i: a[i])(ht, idx)
    central = jnp.broadcast_to(ht[:, :, None, :], feat.shape)
    out = jnp.concatenate([feat - central, central], axis=-1)
    return jnp.transpose(out, (0, 3, 1, 2))


def _knnp_body(xall_ref, rows_ref, idx_ref):
    h = xall_ref[0]
    rows = rows_ref[0]
    inner = -2.0 * lax.dot_general(
        rows.astype(jnp.bfloat16), h.astype(jnp.bfloat16),
        (((0,), (0,)), ((), ())), preferred_element_type=jnp.float32)
    xx = jnp.sum(h * h, axis=0)
    sqr = jnp.sum(rows * rows, axis=0)
    d = ((-xx)[None, :] - inner) - sqr[:, None]
    iota_n = lax.broadcasted_iota(jnp.int32, (ROWT, N), 1)
    iota_k = lax.broadcasted_iota(jnp.int32, (ROWT, KNN), 1)

    def body(t, carry):
        dcur, acc = carry
        m = jnp.max(dcur, axis=1, keepdims=True)
        am = jnp.min(jnp.where(dcur == m, iota_n, N), axis=1, keepdims=True)
        acc = jnp.where(iota_k == t, am, acc)
        dcur = jnp.where(iota_n == am, -jnp.inf, dcur)
        return dcur, acc

    _, acc = lax.fori_loop(
        0, KNN, body, (d, jnp.zeros((ROWT, KNN), jnp.int32)))
    idx_ref[0] = acc


def _knnp(x_bcn):
    nt = N // ROWT
    return pl.pallas_call(
        _knnp_body,
        grid=(B, nt),
        in_specs=[
            pl.BlockSpec((1, C, N), lambda b, i: (b, 0, 0)),
            pl.BlockSpec((1, C, ROWT), lambda b, i: (b, 0, i)),
        ],
        out_specs=pl.BlockSpec((1, ROWT, KNN), lambda b, i: (b, i, 0)),
        out_shape=jax.ShapeDtypeStruct((B, N, KNN), jnp.int32),
        compiler_params=_BIG_VMEM,
    )(x_bcn, x_bcn)


def _gather_body(tab_hbm, idx_hbm, out_hbm, idx_v, rows_v, sem):
    wid = lax.axis_index("s") * 2 + lax.axis_index("c")
    base = wid * _PW
    nrows = _PW * KNN // 128
    pltpu.sync_copy(idx_hbm.at[pl.ds(pl.multiple_of(wid * nrows, 8), nrows)],
                    idx_v)

    def chunk_body(ch, carry):
        ebase = pl.multiple_of((base + ch * _CP) * KNN, 8)
        copies = []
        for j in range(_IDXROWS):
            copies.append(pltpu.async_copy(
                tab_hbm.at[idx_v.at[ch * _IDXROWS + j]],
                rows_v.at[pl.ds(j * 128, 128)], sem))
        for cp in copies:
            cp.wait()
        pltpu.sync_copy(rows_v, out_hbm.at[pl.ds(ebase, _CP * KNN)])
        return carry

    lax.fori_loop(0, _NCH, chunk_body, 0)


def _gather(tab, idx2d):
    mesh = plsc.VectorSubcoreMesh(core_axis_name="c", subcore_axis_name="s")
    fn = pl.kernel(
        _gather_body,
        out_type=jax.ShapeDtypeStruct((EDGES, 2 * C), jnp.float32),
        scratch_types=[
            pltpu.VMEM((_PW * KNN // 128, 128), jnp.int32),
            pltpu.VMEM((_CP * KNN, 2 * C), jnp.float32),
            pltpu.SemaphoreType.DMA,
        ],
        mesh=mesh,
    )
    return fn(tab, idx2d)


_ET = 512
_ENT = BN_ // _ET


def _econv_body(fe_ref, cen_ref, W3T_ref, mx_ref, s_ref, q_ref):
    i = pl.program_id(0)
    fe = fe_ref[...][:, :C]
    cen = cen_ref[...]
    cen3 = jnp.broadcast_to(cen[:, None, :], (_ET, KNN, C)).reshape(
        _ET * KNN, C)
    ei = jnp.concatenate([fe - cen3, cen3], axis=1)
    z = jnp.dot(ei.astype(jnp.bfloat16), W3T_ref[...].astype(jnp.bfloat16),
                preferred_element_type=jnp.float32)
    mx_ref[...] = jnp.max(z.reshape(_ET, KNN, C), axis=1)
    s = jnp.sum(z, axis=0, keepdims=True)
    q = jnp.sum(z * z, axis=0, keepdims=True)

    @pl.when(i == 0)
    def _():
        s_ref[...] = s
        q_ref[...] = q

    @pl.when(i > 0)
    def _():
        s_ref[...] += s
        q_ref[...] += q


def _econv(feat, cen, W3T):
    return pl.pallas_call(
        _econv_body,
        grid=(_ENT,),
        in_specs=[
            pl.BlockSpec((_ET * KNN, 2 * C), lambda i: (i, 0)),
            pl.BlockSpec((_ET, C), lambda i: (i, 0)),
            pl.BlockSpec((2 * C, C), lambda i: (0, 0)),
        ],
        out_specs=(
            pl.BlockSpec((_ET, C), lambda i: (i, 0)),
            pl.BlockSpec((1, C), lambda i: (0, 0)),
            pl.BlockSpec((1, C), lambda i: (0, 0)),
        ),
        out_shape=(
            jax.ShapeDtypeStruct((BN_, C), jnp.float32),
            jax.ShapeDtypeStruct((1, C), jnp.float32),
            jax.ShapeDtypeStruct((1, C), jnp.float32),
        ),
    )(feat, cen, W3T)


def _stage3_body(mx_ref, s_ref, q_ref, g_ref, bt_ref, x_ref):
    m = s_ref[...] / EDGES
    var = q_ref[...] / EDGES - m * m
    x_ref[...] = _lrelu((mx_ref[...] - m) * lax.rsqrt(var + EPS) * g_ref[...]
                        + bt_ref[...])


def _stage3(mx, s, q, g, bt):
    return pl.pallas_call(
        _stage3_body,
        out_shape=jax.ShapeDtypeStruct((BN_, C), jnp.float32),
        compiler_params=_BIG_VMEM,
    )(mx, s, q, g, bt)


_X6T = 1024
_X6NT = BN_ // _X6T


def _x6_body(x3_ref, W6T_ref, s_ref, q_ref, mx_ref):
    i = pl.program_id(0)
    z = _dot16(x3_ref[...], W6T_ref[...])
    s = jnp.sum(z, axis=0, keepdims=True)
    q = jnp.sum(z * z, axis=0, keepdims=True)
    mx = jnp.max(z, axis=0, keepdims=True)

    @pl.when(i == 0)
    def _():
        s_ref[...] = s
        q_ref[...] = q

    @pl.when(i > 0)
    def _():
        s_ref[...] += s
        q_ref[...] += q

    @pl.when(i % 4 == 0)
    def _():
        mx_ref[0] = mx

    @pl.when(i % 4 > 0)
    def _():
        mx_ref[0] = jnp.maximum(mx_ref[0], mx)


def _x6_accum(x3, W6T):
    emb = W6T.shape[1]
    return pl.pallas_call(
        _x6_body,
        grid=(_X6NT,),
        in_specs=[
            pl.BlockSpec((_X6T, C), lambda i: (i, 0)),
            pl.BlockSpec((C, emb), lambda i: (0, 0)),
        ],
        out_specs=(
            pl.BlockSpec((1, emb), lambda i: (0, 0)),
            pl.BlockSpec((1, emb), lambda i: (0, 0)),
            pl.BlockSpec((1, 1, emb), lambda i: (i // 4, 0, 0)),
        ),
        out_shape=(
            jax.ShapeDtypeStruct((1, emb), jnp.float32),
            jax.ShapeDtypeStruct((1, emb), jnp.float32),
            jax.ShapeDtypeStruct((B, 1, emb), jnp.float32),
        ),
    )(x3, W6T)


def _f1_body(x1_ref, x2_ref, x3_ref, W7aT_ref, W7bT_ref, s6_ref, q6_ref,
             mx6_ref, g6_ref, bt6_ref, z_ref, s_ref, q_ref):
    i = pl.program_id(0)
    m6 = s6_ref[...] / BN_
    v6 = q6_ref[...] / BN_ - m6 * m6
    x6 = _lrelu((mx6_ref[0] - m6) * lax.rsqrt(v6 + EPS) * g6_ref[...]
                + bt6_ref[...])
    c7 = _dot16(x6, W7bT_ref[...])
    xcat = jnp.concatenate([x1_ref[...], x2_ref[...], x3_ref[...]], axis=1)
    z = _dot16(xcat, W7aT_ref[...]) + c7
    z_ref[...] = z
    s = jnp.sum(z, axis=0, keepdims=True)
    q = jnp.sum(z * z, axis=0, keepdims=True)

    @pl.when(i == 0)
    def _():
        s_ref[...] = s
        q_ref[...] = q

    @pl.when(i > 0)
    def _():
        s_ref[...] += s
        q_ref[...] += q


def _f1(x1, x2, x3, W7aT, W7bT, s6, q6, mx6, g6, bt6):
    emb = W7bT.shape[0]
    co = W7aT.shape[1]
    return pl.pallas_call(
        _f1_body,
        grid=(_X6NT,),
        in_specs=[
            pl.BlockSpec((_X6T, C), lambda i: (i, 0)),
            pl.BlockSpec((_X6T, C), lambda i: (i, 0)),
            pl.BlockSpec((_X6T, C), lambda i: (i, 0)),
            pl.BlockSpec((3 * C, co), lambda i: (0, 0)),
            pl.BlockSpec((emb, co), lambda i: (0, 0)),
            pl.BlockSpec((1, emb), lambda i: (0, 0)),
            pl.BlockSpec((1, emb), lambda i: (0, 0)),
            pl.BlockSpec((1, 1, emb), lambda i: (i // 4, 0, 0)),
            pl.BlockSpec((1, emb), lambda i: (0, 0)),
            pl.BlockSpec((1, emb), lambda i: (0, 0)),
        ],
        out_specs=(
            pl.BlockSpec((_X6T, co), lambda i: (i, 0)),
            pl.BlockSpec((1, co), lambda i: (0, 0)),
            pl.BlockSpec((1, co), lambda i: (0, 0)),
        ),
        out_shape=(
            jax.ShapeDtypeStruct((BN_, co), jnp.float32),
            jax.ShapeDtypeStruct((1, co), jnp.float32),
            jax.ShapeDtypeStruct((1, co), jnp.float32),
        ),
    )(x1, x2, x3, W7aT, W7bT, s6, q6, mx6, g6, bt6)


def _mid_body(z_ref, s_in_ref, q_in_ref, g_ref, bt_ref, WT_ref,
              zo_ref, s_ref, q_ref):
    i = pl.program_id(0)
    cnt = jnp.float32(BN_)
    m = s_in_ref[...] / cnt
    var = q_in_ref[...] / cnt - m * m
    y = _lrelu((z_ref[...] - m) * lax.rsqrt(var + EPS) * g_ref[...]
               + bt_ref[...])
    z = _dot16(y, WT_ref[...])
    zo_ref[...] = z
    s = jnp.sum(z, axis=0, keepdims=True)
    q = jnp.sum(z * z, axis=0, keepdims=True)

    @pl.when(i == 0)
    def _():
        s_ref[...] = s
        q_ref[...] = q

    @pl.when(i > 0)
    def _():
        s_ref[...] += s
        q_ref[...] += q


def _mid(z, s_in, q_in, g, bt, WT):
    ci, co = WT.shape
    return pl.pallas_call(
        _mid_body,
        grid=(_X6NT,),
        in_specs=[
            pl.BlockSpec((_X6T, ci), lambda i: (i, 0)),
            pl.BlockSpec((1, ci), lambda i: (0, 0)),
            pl.BlockSpec((1, ci), lambda i: (0, 0)),
            pl.BlockSpec((1, ci), lambda i: (0, 0)),
            pl.BlockSpec((1, ci), lambda i: (0, 0)),
            pl.BlockSpec((ci, co), lambda i: (0, 0)),
        ],
        out_specs=(
            pl.BlockSpec((_X6T, co), lambda i: (i, 0)),
            pl.BlockSpec((1, co), lambda i: (0, 0)),
            pl.BlockSpec((1, co), lambda i: (0, 0)),
        ),
        out_shape=(
            jax.ShapeDtypeStruct((BN_, co), jnp.float32),
            jax.ShapeDtypeStruct((1, co), jnp.float32),
            jax.ShapeDtypeStruct((1, co), jnp.float32),
        ),
    )(z, s_in, q_in, g, bt, WT)


def _final_body(z_ref, s_in_ref, q_in_ref, g_ref, bt_ref, WT_ref, b_ref,
                o_ref):
    cnt = jnp.float32(BN_)
    m = s_in_ref[...] / cnt
    var = q_in_ref[...] / cnt - m * m
    y = _lrelu((z_ref[...] - m) * lax.rsqrt(var + EPS) * g_ref[...]
               + bt_ref[...])
    o_ref[...] = _dot16(y, WT_ref[...]) + b_ref[...]


def _final(z, s_in, q_in, g, bt, WT, b):
    ci, co = WT.shape
    return pl.pallas_call(
        _final_body,
        grid=(_X6NT,),
        in_specs=[
            pl.BlockSpec((_X6T, ci), lambda i: (i, 0)),
            pl.BlockSpec((1, ci), lambda i: (0, 0)),
            pl.BlockSpec((1, ci), lambda i: (0, 0)),
            pl.BlockSpec((1, ci), lambda i: (0, 0)),
            pl.BlockSpec((1, ci), lambda i: (0, 0)),
            pl.BlockSpec((ci, co), lambda i: (0, 0)),
            pl.BlockSpec((1, co), lambda i: (0, 0)),
        ],
        out_specs=pl.BlockSpec((_X6T, co), lambda i: (i, 0)),
        out_shape=jax.ShapeDtypeStruct((BN_, co), jnp.float32),
    )(z, s_in, q_in, g, bt, WT, b)


def _graph_gather(tab, idx):
    offs = (jnp.arange(B, dtype=jnp.int32) * N)[:, None, None]
    idx_g = (idx + offs).reshape(EDGES // 128, 128)
    return _gather(tab, idx_g)


def kernel(x, W1, g1, bt1, W2, g2, bt2, W3, g3, bt3, W6, g6, bt6,
           W7, g7, bt7, W8, g8, bt8, W9, g9, bt9, W10, b10):
    x1 = _lrelu_x(_bn_x(jnp.einsum('oi,bin->bon', W1, x), g1, bt1))
    f = _graph_feature_x(x1, _knnp(x1))
    x2 = jnp.max(_lrelu_x(_bn_x(jnp.einsum('oi,bink->bonk', W2, f),
                                g2, bt2)), axis=-1)
    idx2 = _knnp(x2)

    x1, x2, idx2 = lax.optimization_barrier((x1, x2, idx2))
    x1r = jnp.swapaxes(x1, 1, 2).reshape(BN_, C)
    x2r = jnp.swapaxes(x2, 1, 2).reshape(BN_, C)
    feat2 = _graph_gather(jnp.concatenate([x2r, x2r], axis=1), idx2)
    mxe, s3, q3 = _econv(feat2, x2r, W3.T)
    x3 = _stage3(mxe, s3, q3, g3[None], bt3[None])

    s6, q6, mx6 = _x6_accum(x3, W6.T)

    W7a, W7b = W7[:, :3 * C], W7[:, 3 * C:]
    z7, s7, q7 = _f1(x1r, x2r, x3, W7a.T, W7b.T, s6, q6, mx6,
                     g6[None], bt6[None])
    z8, s8, q8 = _mid(z7, s7, q7, g7[None], bt7[None], W8.T)
    z9, s9, q9 = _mid(z8, s8, q8, g8[None], bt8[None], W9.T)
    out = _final(z9, s9, q9, g9[None], bt9[None], W10.T, b10[None])
    return out.reshape(B, N, -1).transpose(0, 2, 1)

# --- scband reference (transcript-rebuilt; emitter-appended) ---
"""Pipeline reference for scband-dgcnn-seg-13254269076110 (READ-ONLY COPY).

The authoritative reference and input builder live on the scoring server;
editing this copy changes nothing except your own understanding.
"""

import jax, jax.numpy as jnp
import numpy as np

K = 20

def _bn(h, gamma, beta):
    axes = tuple(i for i in range(h.ndim) if i != 1)
    m = jnp.mean(h, axis=axes, keepdims=True)
    v = jnp.var(h, axis=axes, keepdims=True)
    sh = [1] * h.ndim
    sh[1] = -1
    return (h - m) / jnp.sqrt(v + 1e-5) * gamma.reshape(sh) + beta.reshape(sh)

def _lrelu(h):
    return jax.nn.leaky_relu(h, 0.2)

def _knn(h, k):
    inner = -2.0 * jnp.einsum('bcn,bcm->bnm', h, h)
    xx = jnp.sum(h * h, axis=1, keepdims=True)
    pd = -xx - inner - jnp.swapaxes(xx, 1, 2)
    return jax.lax.top_k(pd, k)[1]

def _graph_feature(h, k):
    idx = _knn(h, k)
    ht = jnp.swapaxes(h, 1, 2)
    feat = jax.vmap(lambda a, i: a[i])(ht, idx)
    central = jnp.broadcast_to(ht[:, :, None, :], feat.shape)
    out = jnp.concatenate([feat - central, central], axis=-1)
    return jnp.transpose(out, (0, 3, 1, 2))

def _forward(x, W1, g1, bt1, W2, g2, bt2, W3, g3, bt3, W6, g6, bt6, W7, g7, bt7, W8, g8, bt8, W9, g9, bt9, W10, b10):
    x1 = _lrelu(_bn(jnp.einsum('oi,bin->bon', W1, x), g1, bt1))
    f = _graph_feature(x1, K)
    x2 = jnp.max(_lrelu(_bn(jnp.einsum('oi,bink->bonk', W2, f), g2, bt2)), axis=-1)
    f = _graph_feature(x2, K)
    x3 = jnp.max(_lrelu(_bn(jnp.einsum('oi,bink->bonk', W3, f), g3, bt3)), axis=-1)
    x6 = _lrelu(_bn(jnp.einsum('oi,bin->bon', W6, x3), g6, bt6))
    x6 = jnp.max(x6, axis=-1, keepdims=True)
    x6 = jnp.broadcast_to(x6, (x6.shape[0], x6.shape[1], x.shape[2]))
    x7 = jnp.concatenate([x1, x2, x3, x6], axis=1)
    x7 = _lrelu(_bn(jnp.einsum('oi,bin->bon', W7, x7), g7, bt7))
    x7 = _lrelu(_bn(jnp.einsum('oi,bin->bon', W8, x7), g8, bt8))
    x7 = _lrelu(_bn(jnp.einsum('oi,bin->bon', W9, x7), g9, bt9))
    return jnp.einsum('oi,bin->bon', W10, x7) + b10[None, :, None]

def setup_inputs(seed: int = 0):
    key = jax.random.key(seed)
    ks = jax.random.split(key, 16)
    B, CIN, N = 4, 9, 4096
    EMB, NC = 1024, 13
    def w(k, shape):
        return jax.random.normal(k, shape, dtype=jnp.float32) * 0.1
    inp = {}
    inp['x'] = jax.random.normal(ks[0], (B, CIN, N), dtype=jnp.float32)
    inp['W1'] = w(ks[1], (64, CIN)); inp['g1'] = jnp.ones(64, jnp.float32); inp['bt1'] = jnp.zeros(64, jnp.float32)
    inp['W2'] = w(ks[2], (64, 128)); inp['g2'] = jnp.ones(64, jnp.float32); inp['bt2'] = jnp.zeros(64, jnp.float32)
    inp['W3'] = w(ks[3], (64, 128)); inp['g3'] = jnp.ones(64, jnp.float32); inp['bt3'] = jnp.zeros(64, jnp.float32)
    inp['W6'] = w(ks[4], (EMB, 64)); inp['g6'] = jnp.ones(EMB, jnp.float32); inp['bt6'] = jnp.zeros(EMB, jnp.float32)
    inp['W7'] = w(ks[5], (512, EMB + 192)); inp['g7'] = jnp.ones(512, jnp.float32); inp['bt7'] = jnp.zeros(512, jnp.float32)
    inp['W8'] = w(ks[6], (256, 512)); inp['g8'] = jnp.ones(256, jnp.float32); inp['bt8'] = jnp.zeros(256, jnp.float32)
    inp['W9'] = w(ks[7], (128, 256)); inp['g9'] = jnp.ones(128, jnp.float32); inp['bt9'] = jnp.zeros(128, jnp.float32)
    inp['W10'] = w(ks[8], (NC, 128)); inp['b10'] = jnp.zeros(NC, jnp.float32)
    return inp

def reference(x, W1, g1, bt1, W2, g2, bt2, W3, g3, bt3, W6, g6, bt6, W7, g7, bt7, W8, g8, bt8, W9, g9, bt9, W10, b10):
    return _forward(x, W1, g1, bt1, W2, g2, bt2, W3, g3, bt3, W6, g6, bt6, W7, g7, bt7, W8, g8, bt8, W9, g9, bt9, W10, b10)

if __name__ == "__main__":
    import jax
    _d = setup_inputs()
    print(jax.jit(kernel)(*tuple(_d.values())))

</pallas_src>

<mosaic_0001>
#map = affine_map<(d0, d1) -> (0, 0)>
module attributes {stable_mosaic.version = 14 : i64} {
  func.func @_gather_body(%arg0: i32, %arg1: i32, %arg2: memref<16384x128xf32, #tpu.memory_space<hbm>>, %arg3: memref<2560x128xi32, #tpu.memory_space<hbm>>, %arg4: memref<327680x128xf32, #tpu.memory_space<hbm>>, %arg5: memref<80x128xi32, #tpu.memory_space<vmem>>, %arg6: memref<640x128xf32, #tpu.memory_space<vmem>>, %arg7: memref<!tpu.dma_semaphore, #tpu.memory_space<semaphore_mem>>) attributes {dimension_semantics = [#tpu.dimension_semantics<core_parallel>, #tpu.dimension_semantics<subcore_parallel>], iteration_bounds = array<i64: 2, 16>, scalar_prefetch = 0 : i64, scratch_operands = 3 : i64, tpu.core_type = #tpu.core_type<sc_vector_subcore>, window_params = [{transform_indices = #map}, {transform_indices = #map}, {transform_indices = #map}]} {
    %mul3A = arith.constant 2 : i32
    %mul3A_0 = arith.muli %arg1, %mul3A : i32
    %add3A = arith.addi %mul3A_0, %arg0 : i32
    %mul3A_1 = arith.constant 512 : i32
    %mul3A_2 = arith.muli %add3A, %mul3A_1 : i32
    %mul3A_3 = arith.constant 80 : i32
    %mul3A_4 = arith.muli %add3A, %mul3A_3 : i32
    %multiple_of3A = tpu.assume_multiple %mul3A_4, 8 : i32
    "tpu.region"() ({
      %run_scoped3A = tpu.sem_alloc : memref<!tpu.dma_semaphore, #tpu.memory_space<semaphore_mem>>
      %dma_start3A = arith.constant 0 : i32
      %dma_start3A_10 = tpu.memref_slice %arg3[%multiple_of3A, %dma_start3A] : memref<2560x128xi32, #tpu.memory_space<hbm>> -> memref<80x128xi32, #tpu.memory_space<hbm>>
      %dma_start3A_11 = arith.constant 0 : i32
      %dma_start3A_12 = tpu.memref_slice %arg3[%multiple_of3A, %dma_start3A_11] : memref<2560x128xi32, #tpu.memory_space<hbm>> -> memref<80x128xi32, #tpu.memory_space<hbm>>
      tpu.enqueue_dma source(%dma_start3A_12 : memref<80x128xi32, #tpu.memory_space<hbm>>) target(%arg5 : memref<80x128xi32, #tpu.memory_space<vmem>>) target_semaphore(%run_scoped3A : memref<!tpu.dma_semaphore, #tpu.memory_space<semaphore_mem>>)
      %dma_wait3A = arith.constant 0 : i32
      %dma_wait3A_13 = tpu.memref_slice %arg3[%multiple_of3A, %dma_wait3A] : memref<2560x128xi32, #tpu.memory_space<hbm>> -> memref<80x128xi32, #tpu.memory_space<hbm>>
      %dma_wait3A_14 = arith.constant 0 : i32
      %dma_wait3A_15 = tpu.memref_slice %arg3[%multiple_of3A, %dma_wait3A_14] : memref<2560x128xi32, #tpu.memory_space<hbm>> -> memref<80x128xi32, #tpu.memory_space<hbm>>
      tpu.wait_dma2 semaphore(%run_scoped3A : memref<!tpu.dma_semaphore, #tpu.memory_space<semaphore_mem>>) src(%dma_wait3A_15 : memref<80x128xi32, #tpu.memory_space<hbm>>) dst(%arg5 : memref<80x128xi32, #tpu.memory_space<vmem>>)
      tpu.yield
    }) : () -> ()
    %scan3A = arith.constant 0 : i32
    %scan3A_5 = arith.constant 0 : i32
    %scan3A_6 = arith.constant 16 : i32
    %scan3A_7 = arith.addi %scan3A_5, %scan3A_6 : i32
    %scan3A_8 = arith.constant 1 : i32
    scf.for %scan3A_10 = %scan3A_5 to %scan3A_7 step %scan3A_8  : i32 {
      %mul3A_11 = arith.constant 32 : i32
      %mul3A_12 = arith.muli %scan3A_10, %mul3A_11 : i32
      %add3A_13 = arith.addi %mul3A_2, %mul3A_12 : i32
      %mul3A_14 = arith.constant 20 : i32
      %mul3A_15 = arith.muli %add3A_13, %mul3A_14 : i32
      %multiple_of3A_16 = tpu.assume_multiple %mul3A_15, 8 : i32
      %mul3A_17 = arith.constant 5 : i32
      %mul3A_18 = arith.muli %scan3A_10, %mul3A_17 : i32
      %add3A_19 = arith.constant 0 : i32
      %add3A_20 = arith.addi %mul3A_18, %add3A_19 : i32
      %dma_start3A = arith.constant 0 : i32
      %dma_start3A_21 = arith.constant 0 : i32
      %dma_start3A_22 = tpu.memref_slice %arg6[%dma_start3A, %dma_start3A_21] : memref<640x128xf32, #tpu.memory_space<vmem>> -> memref<128x128xf32, #tpu.memory_space<vmem>>
      %dma_start3A_23 = arith.constant 0 : i32
      %dma_start3A_24 = tpu.memref_slice %arg5[%add3A_20, %dma_start3A_23] : memref<80x128xi32, #tpu.memory_space<vmem>> -> memref<1x128xi32, #tpu.memory_space<vmem>>
      %dma_start3A_25 = tpu.memref_squeeze %dma_start3A_24 : memref<1x128xi32, #tpu.memory_space<vmem>> -> memref<128xi32, #tpu.memory_space<vmem>>
      %dma_start3A_26 = arith.constant 0 : i32
      %dma_start3A_27 = arith.constant 0 : i32
      %dma_start3A_28 = tpu.memref_slice %arg2[%dma_start3A_26, %dma_start3A_27] : memref<16384x128xf32, #tpu.memory_space<hbm>> -> memref<16384x128xf32, #tpu.memory_space<hbm>>
      tpu.enqueue_indirect_dma source(%dma_start3A_28 : memref<16384x128xf32, #tpu.memory_space<hbm>>) target(%dma_start3A_22 : memref<128x128xf32, #tpu.memory_space<vmem>>) offsets(%dma_start3A_25 : memref<128xi32, #tpu.memory_space<vmem>>) semaphore(%arg7 : memref<!tpu.dma_semaphore, #tpu.memory_space<semaphore_mem>>)
      %mul3A_29 = arith.constant 5 : i32
      %mul3A_30 = arith.muli %scan3A_10, %mul3A_29 : i32
      %add3A_31 = arith.constant 1 : i32
      %add3A_32 = arith.addi %mul3A_30, %add3A_31 : i32
      %dma_start3A_33 = arith.constant 128 : i32
      %dma_start3A_34 = arith.constant 0 : i32
      %dma_start3A_35 = tpu.memref_slice %arg6[%dma_start3A_33, %dma_start3A_34] : memref<640x128xf32, #tpu.memory_space<vmem>> -> memref<128x128xf32, #tpu.memory_space<vmem>>
      %dma_start3A_36 = arith.constant 0 : i32
      %dma_start3A_37 = tpu.memref_slice %arg5[%add3A_32, %dma_start3A_36] : memref<80x128xi32, #tpu.memory_space<vmem>> -> memref<1x128xi32, #tpu.memory_space<vmem>>
      %dma_start3A_38 = tpu.memref_squeeze %dma_start3A_37 : memref<1x128xi32, #tpu.memory_space<vmem>> -> memref<128xi32, #tpu.memory_space<vmem>>
      %dma_start3A_39 = arith.constant 0 : i32
      %dma_start3A_40 = arith.constant 0 : i32
      %dma_start3A_41 = tpu.memref_slice %arg2[%dma_start3A_39, %dma_start3A_40] : memref<16384x128xf32, #tpu.memory_space<hbm>> -> memref<16384x128xf32, #tpu.memory_space<hbm>>
      tpu.enqueue_indirect_dma source(%dma_start3A_41 : memref<16384x128xf32, #tpu.memory_space<hbm>>) target(%dma_start3A_35 : memref<128x128xf32, #tpu.memory_space<vmem>>) offsets(%dma_start3A_38 : memref<128xi32, #tpu.memory_space<vmem>>) semaphore(%arg7 : memref<!tpu.dma_semaphore, #tpu.memory_space<semaphore_mem>>)
      %mul3A_42 = arith.constant 5 : i32
      %mul3A_43 = arith.muli %scan3A_10, %mul3A_42 : i32
      %add3A_44 = arith.constant 2 : i32
      %add3A_45 = arith.addi %mul3A_43, %add3A_44 : i32
      %dma_start3A_46 = arith.constant 256 : i32
      %dma_start3A_47 = arith.constant 0 : i32
      %dma_start3A_48 = tpu.memref_slice %arg6[%dma_start3A_46, %dma_start3A_47] : memref<640x128xf32, #tpu.memory_space<vmem>> -> memref<128x128xf32, #tpu.memory_space<vmem>>
      %dma_start3A_49 = arith.constant 0 : i32
      %dma_start3A_50 = tpu.memref_slice %arg5[%add3A_45, %dma_start3A_49] : memref<80x128xi32, #tpu.memory_space<vmem>> -> memref<1x128xi32, #tpu.memory_space<vmem>>
      %dma_start3A_51 = tpu.memref_squeeze %dma_start3A_50 : memref<1x128xi32, #tpu.memory_space<vmem>> -> memref<128xi32, #tpu.memory_space<vmem>>
      %dma_start3A_52 = arith.constant 0 : i32
      %dma_start3A_53 = arith.constant 0 : i32
      %dma_start3A_54 = tpu.memref_slice %arg2[%dma_start3A_52, %dma_start3A_53] : memref<16384x128xf32, #tpu.memory_space<hbm>> -> memref<16384x128xf32, #tpu.memory_space<hbm>>
      tpu.enqueue_indirect_dma source(%dma_start3A_54 : memref<16384x128xf32, #tpu.memory_space<hbm>>) target(%dma_start3A_48 : memref<128x128xf32, #tpu.memory_space<vmem>>) offsets(%dma_start3A_51 : memref<128xi32, #tpu.memory_space<vmem>>) semaphore(%arg7 : memref<!tpu.dma_semaphore, #tpu.memory_space<semaphore_mem>>)
      %mul3A_55 = arith.constant 5 : i32
      %mul3A_56 = arith.muli %scan3A_10, %mul3A_55 : i32
      %add3A_57 = arith.constant 3 : i32
      %add3A_58 = arith.addi %mul3A_56, %add3A_57 : i32
      %dma_start3A_59 = arith.constant 384 : i32
      %dma_start3A_60 = arith.constant 0 : i32
      %dma_start3A_61 = tpu.memref_slice %arg6[%dma_start3A_59, %dma_start3A_60] : memref<640x128xf32, #tpu.memory_space<vmem>> -> memref<128x128xf32, #tpu.memory_space<vmem>>
      %dma_start3A_62 = arith.constant 0 : i32
      %dma_start3A_63 = tpu.memref_slice %arg5[%add3A_58, %dma_start3A_62] : memref<80x128xi32, #tpu.memory_space<vmem>> -> memref<1x128xi32, #tpu.memory_space<vmem>>
      %dma_start3A_64 = tpu.memref_squeeze %dma_start3A_63 : memref<1x128xi32, #tpu.memory_space<vmem>> -> memref<128xi32, #tpu.memory_space<vmem>>
      %dma_start3A_65 = arith.constant 0 : i32
      %dma_start3A_66 = arith.constant 0 : i32
      %dma_start3A_67 = tpu.memref_slice %arg2[%dma_start3A_65, %dma_start3A_66] : memref<16384x128xf32, #tpu.memory_space<hbm>> -> memref<16384x128xf32, #tpu.memory_space<hbm>>
      tpu.enqueue_indirect_dma source(%dma_start3A_67 : memref<16384x128xf32, #tpu.memory_space<hbm>>) target(%dma_start3A_61 : memref<128x128xf32, #tpu.memory_space<vmem>>) offsets(%dma_start3A_64 : memref<128xi32, #tpu.memory_space<vmem>>) semaphore(%arg7 : memref<!tpu.dma_semaphore, #tpu.memory_space<semaphore_mem>>)
      %mul3A_68 = arith.constant 5 : i32
      %mul3A_69 = arith.muli %scan3A_10, %mul3A_68 : i32
      %add3A_70 = arith.constant 4 : i32
      %add3A_71 = arith.addi %mul3A_69, %add3A_70 : i32
      %dma_start3A_72 = arith.constant 512 : i32
      %dma_start3A_73 = arith.constant 0 : i32
      %dma_start3A_74 = tpu.memref_slice %arg6[%dma_start3A_72, %dma_start3A_73] : memref<640x128xf32, #tpu.memory_space<vmem>> -> memref<128x128xf32, #tpu.memory_space<vmem>>
      %dma_start3A_75 = arith.constant 0 : i32
      %dma_start3A_76 = tpu.memref_slice %arg5[%add3A_71, %dma_start3A_75] : memref<80x128xi32, #tpu.memory_space<vmem>> -> memref<1x128xi32, #tpu.memory_space<vmem>>
      %dma_start3A_77 = tpu.memref_squeeze %dma_start3A_76 : memref<1x128xi32, #tpu.memory_space<vmem>> -> memref<128xi32, #tpu.memory_space<vmem>>
      %dma_start3A_78 = arith.constant 0 : i32
      %dma_start3A_79 = arith.constant 0 : i32
      %dma_start3A_80 = tpu.memref_slice %arg2[%dma_start3A_78, %dma_start3A_79] : memref<16384x128xf32, #tpu.memory_space<hbm>> -> memref<16384x128xf32, #tpu.memory_space<hbm>>
      tpu.enqueue_indirect_dma source(%dma_start3A_80 : memref<16384x128xf32, #tpu.memory_space<hbm>>) target(%dma_start3A_74 : memref<128x128xf32, #tpu.memory_space<vmem>>) offsets(%dma_start3A_77 : memref<128xi32, #tpu.memory_space<vmem>>) semaphore(%arg7 : memref<!tpu.dma_semaphore, #tpu.memory_space<semaphore_mem>>)
      %dma_wait3A = arith.constant 0 : i32
      %dma_wait3A_81 = arith.constant 0 : i32
      %dma_wait3A_82 = tpu.memref_slice %arg6[%dma_wait3A, %dma_wait3A_81] : memref<640x128xf32, #tpu.memory_space<vmem>> -> memref<128x128xf32, #tpu.memory_space<vmem>>
      %dma_wait3A_83 = arith.constant 0 : i32
      %dma_wait3A_84 = tpu.memref_slice %arg5[%add3A_20, %dma_wait3A_83] : memref<80x128xi32, #tpu.memory_space<vmem>> -> memref<1x128xi32, #tpu.memory_space<vmem>>
      %dma_wait3A_85 = tpu.memref_squeeze %dma_wait3A_84 : memref<1x128xi32, #tpu.memory_space<vmem>> -> memref<128xi32, #tpu.memory_space<vmem>>
      %dma_wait3A_86 = arith.constant 0 : i32
      %dma_wait3A_87 = arith.constant 0 : i32
      %dma_wait3A_88 = tpu.memref_slice %arg2[%dma_wait3A_86, %dma_wait3A_87] : memref<16384x128xf32, #tpu.memory_space<hbm>> -> memref<16384x128xf32, #tpu.memory_space<hbm>>
      tpu.wait_indirect_dma semaphore(%arg7 : memref<!tpu.dma_semaphore, #tpu.memory_space<semaphore_mem>>) src(%dma_wait3A_88 : memref<16384x128xf32, #tpu.memory_space<hbm>>) dst(%dma_wait3A_82 : memref<128x128xf32, #tpu.memory_space<vmem>>)
      %dma_wait3A_89 = arith.constant 128 : i32
      %dma_wait3A_90 = arith.constant 0 : i32
      %dma_wait3A_91 = tpu.memref_slice %arg6[%dma_wait3A_89, %dma_wait3A_90] : memref<640x128xf32, #tpu.memory_space<vmem>> -> memref<128x128xf32, #tpu.memory_space<vmem>>
      %dma_wait3A_92 = arith.constant 0 : i32
      %dma_wait3A_93 = tpu.memref_slice %arg5[%add3A_32, %dma_wait3A_92] : memref<80x128xi32, #tpu.memory_space<vmem>> -> memref<1x128xi32, #tpu.memory_space<vmem>>
      %dma_wait3A_94 = tpu.memref_squeeze %dma_wait3A_93 : memref<1x128xi32, #tpu.memory_space<vmem>> -> memref<128xi32, #tpu.memory_space<vmem>>
      %dma_wait3A_95 = arith.constant 0 : i32
      %dma_wait3A_96 = arith.constant 0 : i32
      %dma_wait3A_97 = tpu.memref_slice %arg2[%dma_wait3A_95, %dma_wait3A_96] : memref<16384x128xf32, #tpu.memory_space<hbm>> -> memref<16384x128xf32, #tpu.memory_space<hbm>>
      tpu.wait_indirect_dma semaphore(%arg7 : memref<!tpu.dma_semaphore, #tpu.memory_space<semaphore_mem>>) src(%dma_wait3A_97 : memref<16384x128xf32, #tpu.memory_space<hbm>>) dst(%dma_wait3A_91 : memref<128x128xf32, #tpu.memory_space<vmem>>)
      %dma_wait3A_98 = arith.constant 256 : i32
      %dma_wait3A_99 = arith.constant 0 : i32
      %dma_wait3A_100 = tpu.memref_slice %arg6[%dma_wait3A_98, %dma_wait3A_99] : memref<640x128xf32, #tpu.memory_space<vmem>> -> memref<128x128xf32, #tpu.memory_space<vmem>>
      %dma_wait3A_101 = arith.constant 0 : i32
      %dma_wait3A_102 = tpu.memref_slice %arg5[%add3A_45, %dma_wait3A_101] : memref<80x128xi32, #tpu.memory_space<vmem>> -> memref<1x128xi32, #tpu.memory_space<vmem>>
      %dma_wait3A_103 = tpu.memref_squeeze %dma_wait3A_102 : memref<1x128xi32, #tpu.memory_space<vmem>> -> memref<128xi32, #tpu.memory_space<vmem>>
      %dma_wait3A_104 = arith.constant 0 : i32
      %dma_wait3A_105 = arith.constant 0 : i32
      %dma_wait3A_106 = tpu.memref_slice %arg2[%dma_wait3A_104, %dma_wait3A_105] : memref<16384x128xf32, #tpu.memory_space<hbm>> -> memref<16384x128xf32, #tpu.memory_space<hbm>>
      tpu.wait_indirect_dma semaphore(%arg7 : memref<!tpu.dma_semaphore, #tpu.memory_space<semaphore_mem>>) src(%dma_wait3A_106 : memref<16384x128xf32, #tpu.memory_space<hbm>>) dst(%dma_wait3A_100 : memref<128x128xf32, #tpu.memory_space<vmem>>)
      %dma_wait3A_107 = arith.constant 384 : i32
      %dma_wait3A_108 = arith.constant 0 : i32
      %dma_wait3A_109 = tpu.memref_slice %arg6[%dma_wait3A_107, %dma_wait3A_108] : memref<640x128xf32, #tpu.memory_space<vmem>> -> memref<128x128xf32, #tpu.memory_space<vmem>>
      %dma_wait3A_110 = arith.constant 0 : i32
      %dma_wait3A_111 = tpu.memref_slice %arg5[%add3A_58, %dma_wait3A_110] : memref<80x128xi32, #tpu.memory_space<vmem>> -> memref<1x128xi32, #tpu.memory_space<vmem>>
      %dma_wait3A_112 = tpu.memref_squeeze %dma_wait3A_111 : memref<1x128xi32, #tpu.memory_space<vmem>> -> memref<128xi32, #tpu.memory_space<vmem>>
      %dma_wait3A_113 = arith.constant 0 : i32
      %dma_wait3A_114 = arith.constant 0 : i32
      %dma_wait3A_115 = tpu.memref_slice %arg2[%dma_wait3A_113, %dma_wait3A_114] : memref<16384x128xf32, #tpu.memory_space<hbm>> -> memref<16384x128xf32, #tpu.memory_space<hbm>>
      tpu.wait_indirect_dma semaphore(%arg7 : memref<!tpu.dma_semaphore, #tpu.memory_space<semaphore_mem>>) src(%dma_wait3A_115 : memref<16384x128xf32, #tpu.memory_space<hbm>>) dst(%dma_wait3A_109 : memref<128x128xf32, #tpu.memory_space<vmem>>)
      %dma_wait3A_116 = arith.constant 512 : i32
      %dma_wait3A_117 = arith.constant 0 : i32
      %dma_wait3A_118 = tpu.memref_slice %arg6[%dma_wait3A_116, %dma_wait3A_117] : memref<640x128xf32, #tpu.memory_space<vmem>> -> memref<128x128xf32, #tpu.memory_space<vmem>>
      %dma_wait3A_119 = arith.constant 0 : i32
      %dma_wait3A_120 = tpu.memref_slice %arg5[%add3A_71, %dma_wait3A_119] : memref<80x128xi32, #tpu.memory_space<vmem>> -> memref<1x128xi32, #tpu.memory_space<vmem>>
      %dma_wait3A_121 = tpu.memref_squeeze %dma_wait3A_120 : memref<1x128xi32, #tpu.memory_space<vmem>> -> memref<128xi32, #tpu.memory_space<vmem>>
      %dma_wait3A_122 = arith.constant 0 : i32
      %dma_wait3A_123 = arith.constant 0 : i32
      %dma_wait3A_124 = tpu.memref_slice %arg2[%dma_wait3A_122, %dma_wait3A_123] : memref<16384x128xf32, #tpu.memory_space<hbm>> -> memref<16384x128xf32, #tpu.memory_space<hbm>>
      tpu.wait_indirect_dma semaphore(%arg7 : memref<!tpu.dma_semaphore, #tpu.memory_space<semaphore_mem>>) src(%dma_wait3A_124 : memref<16384x128xf32, #tpu.memory_space<hbm>>) dst(%dma_wait3A_118 : memref<128x128xf32, #tpu.memory_space<vmem>>)
      "tpu.region"() ({
        %run_scoped3A = tpu.sem_alloc : memref<!tpu.dma_semaphore, #tpu.memory_space<semaphore_mem>>
        %dma_start3A_125 = arith.constant 0 : i32
        %dma_start3A_126 = tpu.memref_slice %arg4[%multiple_of3A_16, %dma_start3A_125] : memref<327680x128xf32, #tpu.memory_space<hbm>> -> memref<640x128xf32, #tpu.memory_space<hbm>>
        %dma_start3A_127 = arith.constant 0 : i32
        %dma_start3A_128 = tpu.memref_slice %arg4[%multiple_of3A_16, %dma_start3A_127] : memref<327680x128xf32, #tpu.memory_space<hbm>> -> memref<640x128xf32, #tpu.memory_space<hbm>>
        tpu.enqueue_dma source(%arg6 : memref<640x128xf32, #tpu.memory_space<vmem>>) target(%dma_start3A_128 : memref<640x128xf32, #tpu.memory_space<hbm>>) target_semaphore(%run_scoped3A : memref<!tpu.dma_semaphore, #tpu.memory_space<semaphore_mem>>)
        %dma_wait3A_129 = arith.constant 0 : i32
        %dma_wait3A_130 = tpu.memref_slice %arg4[%multiple_of3A_16, %dma_wait3A_129] : memref<327680x128xf32, #tpu.memory_space<hbm>> -> memref<640x128xf32, #tpu.memory_space<hbm>>
        %dma_wait3A_131 = arith.constant 0 : i32
        %dma_wait3A_132 = tpu.memref_slice %arg4[%multiple_of3A_16, %dma_wait3A_131] : memref<327680x128xf32, #tpu.memory_space<hbm>> -> memref<640x128xf32, #tpu.memory_space<hbm>>
        tpu.wait_dma2 semaphore(%run_scoped3A : memref<!tpu.dma_semaphore, #tpu.memory_space<semaphore_mem>>) src(%arg6 : memref<640x128xf32, #tpu.memory_space<vmem>>) dst(%dma_wait3A_132 : memref<640x128xf32, #tpu.memory_space<hbm>>)
        tpu.yield
      }) : () -> ()
    }
    %scan3A_9 = arith.constant 16 : i32
    return
  }
}

module attributes {stable_mosaic.version = 14 : i64} {
  func.func @_knnp_body(%arg0: i32, %arg1: i32, %arg2: memref<1x64x4096xf32, #tpu.memory_space<vmem>>, %arg3: memref<1x64x512xf32, #tpu.memory_space<vmem>>, %arg4: memref<1x512x20xi32, #tpu.memory_space<vmem>>) attributes {dimension_semantics = [#tpu.dimension_semantics<arbitrary>, #tpu.dimension_semantics<arbitrary>], iteration_bounds = array<i64: 4, 8>, scalar_prefetch = 0 : i64, scratch_operands = 0 : i64, tpu.core_type = #tpu.core_type<tc>, window_params = [{transform_indices = @transform_0, window_bounds = array<i64: 1, 64, 4096>}, {transform_indices = @transform_1, window_bounds = array<i64: 1, 64, 512>}, {transform_indices = @transform_2, window_bounds = array<i64: 1, 512, 20>}]} {
    %get3A = arith.constant 0 : index
    %get3A_0 = arith.constant 0 : index
    %get3A_1 = arith.constant 0 : index
    %get3A_2 = vector.load %arg2[%get3A, %get3A_0, %get3A_1] : memref<1x64x4096xf32, #tpu.memory_space<vmem>>, vector<1x64x4096xf32>
    %get3A_3 = vector.shape_cast %get3A_2 : vector<1x64x4096xf32> to vector<64x4096xf32>
    %get3A_4 = arith.constant 0 : index
    %get3A_5 = arith.constant 0 : index
    %get3A_6 = arith.constant 0 : index
    %get3A_7 = vector.load %arg3[%get3A_4, %get3A_5, %get3A_6] : memref<1x64x512xf32, #tpu.memory_space<vmem>>, vector<1x64x512xf32>
    %get3A_8 = vector.shape_cast %get3A_7 : vector<1x64x512xf32> to vector<64x512xf32>
    %convert_element_type3A = arith.truncf %get3A_8 : vector<64x512xf32> to vector<64x512xbf16>
    %convert_element_type3A_9 = arith.truncf %get3A_3 : vector<64x4096xf32> to vector<64x4096xbf16>
    %dot_general3A = arith.constant dense<0.000000e+00> : vector<512x4096xf32>
    %dot_general3A_10 = tpu.matmul %convert_element_type3A, %convert_element_type3A_9, %dot_general3A {dimension_numbers = #tpu.dot_dimension_numbers<[0], [0], [1], [1], [0, 1, 1, 1], [], []>, transpose_lhs_hint = false} : vector<64x512xbf16>, vector<64x4096xbf16>, vector<512x4096xf32> -> vector<512x4096xf32>
    %mul3A = arith.constant -2.000000e+00 : f32
    %mul3A_11 = vector.broadcast %mul3A : f32 to vector<512x4096xf32>
    %mul3A_12 = arith.mulf %mul3A_11, %dot_general3A_10 : vector<512x4096xf32>
    %mul3A_13 = arith.mulf %get3A_3, %get3A_3 : vector<64x4096xf32>
    %reduce_sum3A = arith.constant dense<0.000000e+00> : vector<4096xf32>
    %reduce_sum3A_14 = vector.multi_reduction <add>, %mul3A_13, %reduce_sum3A [0] : vector<64x4096xf32> to vector<4096xf32>
    %mul3A_15 = arith.mulf %get3A_8, %get3A_8 : vector<64x512xf32>
    %reduce_sum3A_16 = arith.constant dense<0.000000e+00> : vector<512xf32>
    %reduce_sum3A_17 = vector.multi_reduction <add>, %mul3A_15, %reduce_sum3A_16 [0] : vector<64x512xf32> to vector<512xf32>
    %neg3A = arith.constant 0.000000e+00 : f32
    %neg3A_18 = vector.broadcast %neg3A : f32 to vector<4096xf32>
    %neg3A_19 = arith.subf %neg3A_18, %reduce_sum3A_14 : vector<4096xf32>
    %broadcast_in_dim3A = vector.shape_cast %neg3A_19 : vector<4096xf32> to vector<1x4096xf32>
    %sub3A = vector.broadcast %broadcast_in_dim3A : vector<1x4096xf32> to vector<512x4096xf32>
    %sub3A_20 = arith.subf %sub3A, %mul3A_12 : vector<512x4096xf32>
    %broadcast_in_dim3A_21 = vector.shape_cast %reduce_sum3A_17 : vector<512xf32> to vector<512x1xf32>
    %sub3A_22 = vector.broadcast %broadcast_in_dim3A_21 : vector<512x1xf32> to vector<512x4096xf32>
    %sub3A_23 = arith.subf %sub3A_20, %sub3A_22 : vector<512x4096xf32>
    %iota3A = tpu.iota {dimensions = array<i32: 1>} : vector<512x4096xi32>
    %iota3A_24 = tpu.iota {dimensions = array<i32: 1>} : vector<512x20xi32>
    %broadcast_in_dim3A_25 = arith.constant 0 : i32
    %broadcast_in_dim3A_26 = vector.broadcast %broadcast_in_dim3A_25 : i32 to vector<512x20xi32>
    %scan3A = arith.constant 0 : i32
    %scan3A_27 = arith.constant 20 : i32
    %scan3A_28 = arith.addi %scan3A, %scan3A_27 : i32
    %scan3A_29 = arith.constant 1 : i32
    %scan3A_30:2 = scf.for %scan3A_37 = %scan3A to %scan3A_28 step %scan3A_29 iter_args(%scan3A_38 = %sub3A_23, %scan3A_39 = %broadcast_in_dim3A_26) -> (vector<512x4096xf32>, vector<512x20xi32>)  : i32 {
      %reduce_max3A = arith.constant dense<0xFF800000> : vector<512xf32>
      %reduce_max3A_40 = vector.multi_reduction <maximumf>, %scan3A_38, %reduce_max3A [1] : vector<512x4096xf32> to vector<512xf32>
      %broadcast_in_dim3A_41 = vector.shape_cast %reduce_max3A_40 : vector<512xf32> to vector<512x1xf32>
      %eq3A = vector.broadcast %broadcast_in_dim3A_41 : vector<512x1xf32> to vector<512x4096xf32>
      %eq3A_42 = arith.cmpf oeq, %scan3A_38, %eq3A : vector<512x4096xf32>
      %jit3A = arith.constant 4096 : i32
      %broadcast_in_dim3A_43 = vector.broadcast %jit3A : i32 to vector<512x4096xi32>
      %select_n3A = arith.select %eq3A_42, %iota3A, %broadcast_in_dim3A_43 : vector<512x4096xi1>, vector<512x4096xi32>
      %reduce_min3A = arith.constant dense<2147483647> : vector<512xi32>
      %reduce_min3A_44 = vector.multi_reduction <minsi>, %select_n3A, %reduce_min3A [1] : vector<512x4096xi32> to vector<512xi32>
      %broadcast_in_dim3A_45 = vector.shape_cast %reduce_min3A_44 : vector<512xi32> to vector<512x1xi32>
      %eq3A_46 = vector.broadcast %scan3A_37 : i32 to vector<512x20xi32>
      %eq3A_47 = arith.cmpi eq, %iota3A_24, %eq3A_46 : vector<512x20xi32>
      %broadcast_in_dim3A_48 = vector.shape_cast %broadcast_in_dim3A_45 : vector<512x1xi32> to vector<512x1xi32>
      %broadcast_in_dim3A_49 = vector.broadcast %broadcast_in_dim3A_48 : vector<512x1xi32> to vector<512x20xi32>
      %select_n3A_50 = arith.select %eq3A_47, %broadcast_in_dim3A_49, %scan3A_39 : vector<512x20xi1>, vector<512x20xi32>
      %eq3A_51 = vector.broadcast %broadcast_in_dim3A_45 : vector<512x1xi32> to vector<512x4096xi32>
      %eq3A_52 = arith.cmpi eq, %iota3A, %eq3A_51 : vector<512x4096xi32>
      %jit3A_53 = arith.constant 0xFF800000 : f32
      %broadcast_in_dim3A_54 = vector.broadcast %jit3A_53 : f32 to vector<512x4096xf32>
      %select_n3A_55 = arith.select %eq3A_52, %broadcast_in_dim3A_54, %scan3A_38 : vector<512x4096xi1>, vector<512x4096xf32>
      scf.yield %select_n3A_55, %select_n3A_50 : vector<512x4096xf32>, vector<512x20xi32>
    }
    %scan3A_31 = arith.constant 20 : i32
    %swap3A = arith.constant 0 : index
    %swap3A_32 = arith.constant 0 : index
    %swap3A_33 = arith.constant 0 : index
    %swap3A_34 = vector.load %arg4[%swap3A, %swap3A_32, %swap3A_33] : memref<1x512x20xi32, #tpu.memory_space<vmem>>, vector<1x512x20xi32>
    %swap3A_35 = vector.shape_cast %swap3A_34 : vector<1x512x20xi32> to vector<512x20xi32>
    %swap3A_36 = vector.shape_cast %scan3A_30#1 : vector<512x20xi32> to vector<1x512x20xi32>
    tpu.vector_store %arg4[%swap3A, %swap3A_32, %swap3A_33], %swap3A_36 {strides = array<i32>} : memref<1x512x20xi32, #tpu.memory_space<vmem>>, vector<1x512x20xi32>,
    return
  }
  func.func @transform_0(%arg0: i32, %arg1: i32) -> (i32, i32, i32) {
    %c0_i32 = arith.constant 0 : i32
    %c0_i32_0 = arith.constant 0 : i32
    %c0_i32_1 = arith.constant 0 : i32
    return %arg0, %c0_i32, %c0_i32_0 : i32, i32, i32
  }
  func.func @transform_1(%arg0: i32, %arg1: i32) -> (i32, i32, i32) {
    %c0_i32 = arith.constant 0 : i32
    %c0_i32_0 = arith.constant 0 : i32
    return %arg0, %c0_i32, %arg1 : i32, i32, i32
  }
  func.func @transform_2(%arg0: i32, %arg1: i32) -> (i32, i32, i32) {
    %c0_i32 = arith.constant 0 : i32
    %c0_i32_0 = arith.constant 0 : i32
    return %arg0, %arg1, %c0_i32 : i32, i32, i32
  }
}

module attributes {stable_mosaic.version = 14 : i64} {
  func.func @_econv_body(%arg0: i32, %arg1: memref<10240x128xf32, #tpu.memory_space<vmem>>, %arg2: memref<512x64xf32, #tpu.memory_space<vmem>>, %arg3: memref<128x64xf32, #tpu.memory_space<vmem>>, %arg4: memref<512x64xf32, #tpu.memory_space<vmem>>, %arg5: memref<1x64xf32, #tpu.memory_space<vmem>>, %arg6: memref<1x64xf32, #tpu.memory_space<vmem>>) attributes {dimension_semantics = [#tpu.dimension_semantics<arbitrary>], iteration_bounds = array<i64: 32>, scalar_prefetch = 0 : i64, scratch_operands = 0 : i64, tpu.core_type = #tpu.core_type<tc>, window_params = [{transform_indices = @transform_0, window_bounds = array<i64: 10240, 128>}, {transform_indices = @transform_1, window_bounds = array<i64: 512, 64>}, {pipeline_mode = #tpu.pipeline_mode<synchronous>, transform_indices = @transform_2, window_bounds = array<i64: 128, 64>}, {transform_indices = @transform_3, window_bounds = array<i64: 512, 64>}, {pipeline_mode = #tpu.pipeline_mode<synchronous>, transform_indices = @transform_4, window_bounds = array<i64: 1, 64>}, {pipeline_mode = #tpu.pipeline_mode<synchronous>, transform_indices = @transform_5, window_bounds = array<i64: 1, 64>}]} {
    %get3A = arith.constant 0 : index
    %get3A_0 = arith.constant 0 : index
    %get3A_1 = vector.load %arg1[%get3A, %get3A_0] : memref<10240x128xf32, #tpu.memory_space<vmem>>, vector<10240x128xf32>
    %slice3A = vector.extract_strided_slice %get3A_1 {offsets = [0, 0], sizes = [10240, 64], strides = [1, 1]} : vector<10240x128xf32> to vector<10240x64xf32>
    %get3A_2 = arith.constant 0 : index
    %get3A_3 = arith.constant 0 : index
    %get3A_4 = vector.load %arg2[%get3A_2, %get3A_3] : memref<512x64xf32, #tpu.memory_space<vmem>>, vector<512x64xf32>
    %broadcast_in_dim3A = vector.shape_cast %get3A_4 : vector<512x64xf32> to vector<512x1x64xf32>
    %broadcast_in_dim3A_5 = vector.shape_cast %broadcast_in_dim3A : vector<512x1x64xf32> to vector<512x1x64xf32>
    %broadcast_in_dim3A_6 = vector.broadcast %broadcast_in_dim3A_5 : vector<512x1x64xf32> to vector<512x20x64xf32>
    %reshape3A = vector.shape_cast %broadcast_in_dim3A_6 : vector<512x20x64xf32> to vector<10240x64xf32>
    %sub3A = arith.subf %slice3A, %reshape3A : vector<10240x64xf32>
    %concatenate3A = tpu.concatenate %sub3A, %reshape3A in 1 : vector<10240x64xf32>, vector<10240x64xf32> -> vector<10240x128xf32>
    %convert_element_type3A = arith.truncf %concatenate3A : vector<10240x128xf32> to vector<10240x128xbf16>
    %get3A_7 = arith.constant 0 : index
    %get3A_8 = arith.constant 0 : index
    %get3A_9 = vector.load %arg3[%get3A_7, %get3A_8] : memref<128x64xf32, #tpu.memory_space<vmem>>, vector<128x64xf32>
    %convert_element_type3A_10 = arith.truncf %get3A_9 : vector<128x64xf32> to vector<128x64xbf16>
    %dot_general3A = arith.constant dense<0.000000e+00> : vector<10240x64xf32>
    %dot_general3A_11 = tpu.matmul %convert_element_type3A, %convert_element_type3A_10, %dot_general3A {dimension_numbers = #tpu.dot_dimension_numbers<[1], [0], [0], [1], [0, 0, 1, 1], [], []>, transpose_lhs_hint = false} : vector<10240x128xbf16>, vector<128x64xbf16>, vector<10240x64xf32> -> vector<10240x64xf32>
    %reshape3A_12 = vector.shape_cast %dot_general3A_11 : vector<10240x64xf32> to vector<512x20x64xf32>
    %reduce_max3A = arith.constant dense<0xFF800000> : vector<512x64xf32>
    %reduce_max3A_13 = vector.multi_reduction <maximumf>, %reshape3A_12, %reduce_max3A [1] : vector<512x20x64xf32> to vector<512x64xf32>
    %swap3A = arith.constant 0 : index
    %swap3A_14 = arith.constant 0 : index
    %swap3A_15 = vector.load %arg4[%swap3A, %swap3A_14] : memref<512x64xf32, #tpu.memory_space<vmem>>, vector<512x64xf32>
    tpu.vector_store %arg4[%swap3A, %swap3A_14], %reduce_max3A_13 {strides = array<i32>} : memref<512x64xf32, #tpu.memory_space<vmem>>, vector<512x64xf32>,
    %reduce_sum3A = arith.constant dense<0.000000e+00> : vector<64xf32>
    %reduce_sum3A_16 = vector.multi_reduction <add>, %dot_general3A_11, %reduce_sum3A [0] : vector<10240x64xf32> to vector<64xf32>
    %broadcast_in_dim3A_17 = vector.shape_cast %reduce_sum3A_16 : vector<64xf32> to vector<1x64xf32>
    %mul3A = arith.mulf %dot_general3A_11, %dot_general3A_11 : vector<10240x64xf32>
    %reduce_sum3A_18 = arith.constant dense<0.000000e+00> : vector<64xf32>
    %reduce_sum3A_19 = vector.multi_reduction <add>, %mul3A, %reduce_sum3A_18 [0] : vector<10240x64xf32> to vector<64xf32>
    %broadcast_in_dim3A_20 = vector.shape_cast %reduce_sum3A_19 : vector<64xf32> to vector<1x64xf32>
    %eq3A = arith.constant 0 : i32
    %eq3A_21 = arith.cmpi eq, %arg0, %eq3A : i32
    %convert_element_type3A_22 = arith.extui %eq3A_21 : i1 to i32
    %cond3A = arith.constant 0 : i32
    %cond3A_23 = arith.cmpi ne, %convert_element_type3A_22, %cond3A : i32
    scf.if %cond3A_23 {
      %swap3A_28 = arith.constant 0 : index
      %swap3A_29 = arith.constant 0 : index
      %swap3A_30 = vector.load %arg5[%swap3A_28, %swap3A_29] : memref<1x64xf32, #tpu.memory_space<vmem>>, vector<1x64xf32>
      tpu.vector_store %arg5[%swap3A_28, %swap3A_29], %broadcast_in_dim3A_17 {strides = array<i32>} : memref<1x64xf32, #tpu.memory_space<vmem>>, vector<1x64xf32>,
      %swap3A_31 = arith.constant 0 : index
      %swap3A_32 = arith.constant 0 : index
      %swap3A_33 = vector.load %arg6[%swap3A_31, %swap3A_32] : memref<1x64xf32, #tpu.memory_space<vmem>>, vector<1x64xf32>
      tpu.vector_store %arg6[%swap3A_31, %swap3A_32], %broadcast_in_dim3A_20 {strides = array<i32>} : memref<1x64xf32, #tpu.memory_space<vmem>>, vector<1x64xf32>,
    } else {
    }
    %gt3A = arith.constant 0 : i32
    %gt3A_24 = arith.cmpi sgt, %arg0, %gt3A : i32
    %convert_element_type3A_25 = arith.extui %gt3A_24 : i1 to i32
    %cond3A_26 = arith.constant 0 : i32
    %cond3A_27 = arith.cmpi ne, %convert_element_type3A_25, %cond3A_26 : i32
    scf.if %cond3A_27 {
      %get3A_28 = arith.constant 0 : index
      %get3A_29 = arith.constant 0 : index
      %get3A_30 = vector.load %arg5[%get3A_28, %get3A_29] : memref<1x64xf32, #tpu.memory_space<vmem>>, vector<1x64xf32>
      %add3A = arith.addf %get3A_30, %broadcast_in_dim3A_17 : vector<1x64xf32>
      %swap3A_31 = arith.constant 0 : index
      %swap3A_32 = arith.constant 0 : index
      %swap3A_33 = vector.load %arg5[%swap3A_31, %swap3A_32] : memref<1x64xf32, #tpu.memory_space<vmem>>, vector<1x64xf32>
      tpu.vector_store %arg5[%swap3A_31, %swap3A_32], %add3A {strides = array<i32>} : memref<1x64xf32, #tpu.memory_space<vmem>>, vector<1x64xf32>,
      %get3A_34 = arith.constant 0 : index
      %get3A_35 = arith.constant 0 : index
      %get3A_36 = vector.load %arg6[%get3A_34, %get3A_35] : memref<1x64xf32, #tpu.memory_space<vmem>>, vector<1x64xf32>
      %add3A_37 = arith.addf %get3A_36, %broadcast_in_dim3A_20 : vector<1x64xf32>
      %swap3A_38 = arith.constant 0 : index
      %swap3A_39 = arith.constant 0 : index
      %swap3A_40 = vector.load %arg6[%swap3A_38, %swap3A_39] : memref<1x64xf32, #tpu.memory_space<vmem>>, vector<1x64xf32>
      tpu.vector_store %arg6[%swap3A_38, %swap3A_39], %add3A_37 {strides = array<i32>} : memref<1x64xf32, #tpu.memory_space<vmem>>, vector<1x64xf32>,
    } else {
    }
    return
  }
  func.func @transform_0(%arg0: i32) -> (i32, i32) {
    %c0_i32 = arith.constant 0 : i32
    %c0_i32_0 = arith.constant 0 : i32
    return %arg0, %c0_i32 : i32, i32
  }
  func.func @transform_1(%arg0: i32) -> (i32, i32) {
    %c0_i32 = arith.constant 0 : i32
    %c0_i32_0 = arith.constant 0 : i32
    return %arg0, %c0_i32 : i32, i32
  }
  func.func @transform_2(%arg0: i32) -> (i32, i32) {
    %c0_i32 = arith.constant 0 : i32
    %c0_i32_0 = arith.constant 0 : i32
    %c0_i32_1 = arith.constant 0 : i32
    return %c0_i32, %c0_i32_0 : i32, i32
  }
  func.func @transform_3(%arg0: i32) -> (i32, i32) {
    %c0_i32 = arith.constant 0 : i32
    %c0_i32_0 = arith.constant 0 : i32
    return %arg0, %c0_i32 : i32, i32
  }
  func.func @transform_4(%arg0: i32) -> (i32, i32) {
    %c0_i32 = arith.constant 0 : i32
    %c0_i32_0 = arith.constant 0 : i32
    %c0_i32_1 = arith.constant 0 : i32
    return %c0_i32, %c0_i32_0 : i32, i32
  }
  func.func @transform_5(%arg0: i32) -> (i32, i32) {
    %c0_i32 = arith.constant 0 : i32
    %c0_i32_0 = arith.constant 0 : i32
    %c0_i32_1 = arith.constant 0 : i32
    return %c0_i32, %c0_i32_0 : i32, i32
  }
}

module attributes {stable_mosaic.version = 14 : i64} {
  func.func @_stage3_body(%arg0: memref<16384x64xf32, #tpu.memory_space<vmem>>, %arg1: memref<1x64xf32, #tpu.memory_space<vmem>>, %arg2: memref<1x64xf32, #tpu.memory_space<vmem>>, %arg3: memref<1x64xf32, #tpu.memory_space<vmem>>, %arg4: memref<1x64xf32, #tpu.memory_space<vmem>>, %arg5: memref<16384x64xf32, #tpu.memory_space<vmem>>) attributes {dimension_semantics = [], scalar_prefetch = 0 : i64, scratch_operands = 0 : i64, tpu.core_type = #tpu.core_type<tc>} {
    %get3A = arith.constant 0 : index
    %get3A_0 = arith.constant 0 : index
    %get3A_1 = vector.load %arg1[%get3A, %get3A_0] : memref<1x64xf32, #tpu.memory_space<vmem>>, vector<1x64xf32>
    %div3A = arith.constant 3.276800e+05 : f32
    %div3A_2 = vector.broadcast %div3A : f32 to vector<1x64xf32>
    %div3A_3 = arith.divf %get3A_1, %div3A_2 : vector<1x64xf32>
    %get3A_4 = arith.constant 0 : index
    %get3A_5 = arith.constant 0 : index
    %get3A_6 = vector.load %arg2[%get3A_4, %get3A_5] : memref<1x64xf32, #tpu.memory_space<vmem>>, vector<1x64xf32>
    %div3A_7 = arith.constant 3.276800e+05 : f32
    %div3A_8 = vector.broadcast %div3A_7 : f32 to vector<1x64xf32>
    %div3A_9 = arith.divf %get3A_6, %div3A_8 : vector<1x64xf32>
    %mul3A = arith.mulf %div3A_3, %div3A_3 : vector<1x64xf32>
    %sub3A = arith.subf %div3A_9, %mul3A : vector<1x64xf32>
    %get3A_10 = arith.constant 0 : index
    %get3A_11 = arith.constant 0 : index
    %get3A_12 = vector.load %arg0[%get3A_10, %get3A_11] : memref<16384x64xf32, #tpu.memory_space<vmem>>, vector<16384x64xf32>
    %sub3A_13 = vector.broadcast %div3A_3 : vector<1x64xf32> to vector<16384x64xf32>
    %sub3A_14 = arith.subf %get3A_12, %sub3A_13 : vector<16384x64xf32>
    %add3A = arith.constant 9.99999974E-6 : f32
    %add3A_15 = vector.broadcast %add3A : f32 to vector<1x64xf32>
    %add3A_16 = arith.addf %sub3A, %add3A_15 : vector<1x64xf32>
    %rsqrt3A = math.rsqrt %add3A_16 : vector<1x64xf32>
    %mul3A_17 = vector.broadcast %rsqrt3A : vector<1x64xf32> to vector<16384x64xf32>
    %mul3A_18 = arith.mulf %sub3A_14, %mul3A_17 : vector<16384x64xf32>
    %get3A_19 = arith.constant 0 : index
    %get3A_20 = arith.constant 0 : index
    %get3A_21 = vector.load %arg3[%get3A_19, %get3A_20] : memref<1x64xf32, #tpu.memory_space<vmem>>, vector<1x64xf32>
    %mul3A_22 = vector.broadcast %get3A_21 : vector<1x64xf32> to vector<16384x64xf32>
    %mul3A_23 = arith.mulf %mul3A_18, %mul3A_22 : vector<16384x64xf32>
    %get3A_24 = arith.constant 0 : index
    %get3A_25 = arith.constant 0 : index
    %get3A_26 = vector.load %arg4[%get3A_24, %get3A_25] : memref<1x64xf32, #tpu.memory_space<vmem>>, vector<1x64xf32>
    %add3A_27 = vector.broadcast %get3A_26 : vector<1x64xf32> to vector<16384x64xf32>
    %add3A_28 = arith.addf %mul3A_23, %add3A_27 : vector<16384x64xf32>
    %jit3A = arith.constant 2.000000e-01 : f32
    %ge3A = arith.constant 0.000000e+00 : f32
    %ge3A_29 = vector.broadcast %ge3A : f32 to vector<16384x64xf32>
    %ge3A_30 = arith.cmpf oge, %add3A_28, %ge3A_29 : vector<16384x64xf32>
    %mul3A_31 = vector.broadcast %jit3A : f32 to vector<16384x64xf32>
    %mul3A_32 = arith.mulf %mul3A_31, %add3A_28 : vector<16384x64xf32>
    %select_n3A = arith.select %ge3A_30, %add3A_28, %mul3A_32 : vector<16384x64xi1>, vector<16384x64xf32>
    %swap3A = arith.constant 0 : index
    %swap3A_33 = arith.constant 0 : index
    %swap3A_34 = vector.load %arg5[%swap3A, %swap3A_33] : memref<16384x64xf32, #tpu.memory_space<vmem>>, vector<16384x64xf32>
    tpu.vector_store %arg5[%swap3A, %swap3A_33], %select_n3A {strides = array<i32>} : memref<16384x64xf32, #tpu.memory_space<vmem>>, vector<16384x64xf32>,
    return
  }
}

module attributes {stable_mosaic.version = 14 : i64} {
  func.func @_x6_body(%arg0: i32, %arg1: memref<1024x64xf32, #tpu.memory_space<vmem>>, %arg2: memref<64x1024xf32, #tpu.memory_space<vmem>>, %arg3: memref<1x1024xf32, #tpu.memory_space<vmem>>, %arg4: memref<1x1024xf32, #tpu.memory_space<vmem>>, %arg5: memref<1x1x1024xf32, #tpu.memory_space<vmem>>) attributes {dimension_semantics = [#tpu.dimension_semantics<arbitrary>], iteration_bounds = array<i64: 16>, scalar_prefetch = 0 : i64, scratch_operands = 0 : i64, tpu.core_type = #tpu.core_type<tc>, window_params = [{transform_indices = @transform_0, window_bounds = array<i64: 1024, 64>}, {pipeline_mode = #tpu.pipeline_mode<synchronous>, transform_indices = @transform_1, window_bounds = array<i64: 64, 1024>}, {pipeline_mode = #tpu.pipeline_mode<synchronous>, transform_indices = @transform_2, window_bounds = array<i64: 1, 1024>}, {pipeline_mode = #tpu.pipeline_mode<synchronous>, transform_indices = @transform_3, window_bounds = array<i64: 1, 1024>}, {transform_indices = @transform_4, window_bounds = array<i64: 1, 1, 1024>}]} {
    %get3A = arith.constant 0 : index
    %get3A_0 = arith.constant 0 : index
    %get3A_1 = vector.load %arg1[%get3A, %get3A_0] : memref<1024x64xf32, #tpu.memory_space<vmem>>, vector<1024x64xf32>
    %get3A_2 = arith.constant 0 : index
    %get3A_3 = arith.constant 0 : index
    %get3A_4 = vector.load %arg2[%get3A_2, %get3A_3] : memref<64x1024xf32, #tpu.memory_space<vmem>>, vector<64x1024xf32>
    %convert_element_type3A = arith.truncf %get3A_1 : vector<1024x64xf32> to vector<1024x64xbf16>
    %convert_element_type3A_5 = arith.truncf %get3A_4 : vector<64x1024xf32> to vector<64x1024xbf16>
    %dot_general3A = arith.constant dense<0.000000e+00> : vector<1024x1024xf32>
    %dot_general3A_6 = tpu.matmul %convert_element_type3A, %convert_element_type3A_5, %dot_general3A {dimension_numbers = #tpu.dot_dimension_numbers<[1], [0], [0], [1], [0, 0, 1, 1], [], []>, transpose_lhs_hint = false} : vector<1024x64xbf16>, vector<64x1024xbf16>, vector<1024x1024xf32> -> vector<1024x1024xf32>
    %reduce_sum3A = arith.constant dense<0.000000e+00> : vector<1024xf32>
    %reduce_sum3A_7 = vector.multi_reduction <add>, %dot_general3A_6, %reduce_sum3A [0] : vector<1024x1024xf32> to vector<1024xf32>
    %broadcast_in_dim3A = vector.shape_cast %reduce_sum3A_7 : vector<1024xf32> to vector<1x1024xf32>
    %mul3A = arith.mulf %dot_general3A_6, %dot_general3A_6 : vector<1024x1024xf32>
    %reduce_sum3A_8 = arith.constant dense<0.000000e+00> : vector<1024xf32>
    %reduce_sum3A_9 = vector.multi_reduction <add>, %mul3A, %reduce_sum3A_8 [0] : vector<1024x1024xf32> to vector<1024xf32>
    %broadcast_in_dim3A_10 = vector.shape_cast %reduce_sum3A_9 : vector<1024xf32> to vector<1x1024xf32>
    %reduce_max3A = arith.constant dense<0xFF800000> : vector<1024xf32>
    %reduce_max3A_11 = vector.multi_reduction <maximumf>, %dot_general3A_6, %reduce_max3A [0] : vector<1024x1024xf32> to vector<1024xf32>
    %broadcast_in_dim3A_12 = vector.shape_cast %reduce_max3A_11 : vector<1024xf32> to vector<1x1024xf32>
    %eq3A = arith.constant 0 : i32
    %eq3A_13 = arith.cmpi eq, %arg0, %eq3A : i32
    %convert_element_type3A_14 = arith.extui %eq3A_13 : i1 to i32
    %cond3A = arith.constant 0 : i32
    %cond3A_15 = arith.cmpi ne, %convert_element_type3A_14, %cond3A : i32
    scf.if %cond3A_15 {
      %swap3A = arith.constant 0 : index
      %swap3A_55 = arith.constant 0 : index
      %swap3A_56 = vector.load %arg3[%swap3A, %swap3A_55] : memref<1x1024xf32, #tpu.memory_space<vmem>>, vector<1x1024xf32>
      tpu.vector_store %arg3[%swap3A, %swap3A_55], %broadcast_in_dim3A {strides = array<i32>} : memref<1x1024xf32, #tpu.memory_space<vmem>>, vector<1x1024xf32>,
      %swap3A_57 = arith.constant 0 : index
      %swap3A_58 = arith.constant 0 : index
      %swap3A_59 = vector.load %arg4[%swap3A_57, %swap3A_58] : memref<1x1024xf32, #tpu.memory_space<vmem>>, vector<1x1024xf32>
      tpu.vector_store %arg4[%swap3A_57, %swap3A_58], %broadcast_in_dim3A_10 {strides = array<i32>} : memref<1x1024xf32, #tpu.memory_space<vmem>>, vector<1x1024xf32>,
    } else {
    }
    %gt3A = arith.constant 0 : i32
    %gt3A_16 = arith.cmpi sgt, %arg0, %gt3A : i32
    %convert_element_type3A_17 = arith.extui %gt3A_16 : i1 to i32
    %cond3A_18 = arith.constant 0 : i32
    %cond3A_19 = arith.cmpi ne, %convert_element_type3A_17, %cond3A_18 : i32
    scf.if %cond3A_19 {
      %get3A_55 = arith.constant 0 : index
      %get3A_56 = arith.constant 0 : index
      %get3A_57 = vector.load %arg3[%get3A_55, %get3A_56] : memref<1x1024xf32, #tpu.memory_space<vmem>>, vector<1x1024xf32>
      %add3A_58 = arith.addf %get3A_57, %broadcast_in_dim3A : vector<1x1024xf32>
      %swap3A = arith.constant 0 : index
      %swap3A_59 = arith.constant 0 : index
      %swap3A_60 = vector.load %arg3[%swap3A, %swap3A_59] : memref<1x1024xf32, #tpu.memory_space<vmem>>, vector<1x1024xf32>
      tpu.vector_store %arg3[%swap3A, %swap3A_59], %add3A_58 {strides = array<i32>} : memref<1x1024xf32, #tpu.memory_space<vmem>>, vector<1x1024xf32>,
      %get3A_61 = arith.constant 0 : index
      %get3A_62 = arith.constant 0 : index
      %get3A_63 = vector.load %arg4[%get3A_61, %get3A_62] : memref<1x1024xf32, #tpu.memory_space<vmem>>, vector<1x1024xf32>
      %add3A_64 = arith.addf %get3A_63, %broadcast_in_dim3A_10 : vector<1x1024xf32>
      %swap3A_65 = arith.constant 0 : index
      %swap3A_66 = arith.constant 0 : index
      %swap3A_67 = vector.load %arg4[%swap3A_65, %swap3A_66] : memref<1x1024xf32, #tpu.memory_space<vmem>>, vector<1x1024xf32>
      tpu.vector_store %arg4[%swap3A_65, %swap3A_66], %add3A_64 {strides = array<i32>} : memref<1x1024xf32, #tpu.memory_space<vmem>>, vector<1x1024xf32>,
    } else {
    }
    %jit3A = arith.constant 4 : i32
    %eq3A_20 = arith.constant 0 : i32
    %eq3A_21 = arith.cmpi eq, %jit3A, %eq3A_20 : i32
    %jit3A_22 = arith.constant 1 : i32
    %select_n3A = arith.select %eq3A_21, %jit3A_22, %jit3A : i32
    %rem3A = arith.remsi %arg0, %select_n3A : i32
    %ne3A = arith.constant 0 : i32
    %ne3A_23 = arith.cmpi ne, %rem3A, %ne3A : i32
    %lt3A = arith.constant 0 : i32
    %lt3A_24 = arith.cmpi slt, %rem3A, %lt3A : i32
    %lt3A_25 = arith.constant 0 : i32
    %lt3A_26 = arith.cmpi slt, %select_n3A, %lt3A_25 : i32
    %ne3A_27 = arith.xori %lt3A_24, %lt3A_26 : i1
    %and3A = arith.andi %ne3A_27, %ne3A_23 : i1
    %add3A = arith.addi %rem3A, %select_n3A : i32
    %select_n3A_28 = arith.select %and3A, %add3A, %rem3A : i32
    %eq3A_29 = arith.constant 0 : i32
    %eq3A_30 = arith.cmpi eq, %select_n3A_28, %eq3A_29 : i32
    %convert_element_type3A_31 = arith.extui %eq3A_30 : i1 to i32
    %cond3A_32 = arith.constant 0 : i32
    %cond3A_33 = arith.cmpi ne, %convert_element_type3A_31, %cond3A_32 : i32
    scf.if %cond3A_33 {
      %swap3A = arith.constant 0 : index
      %swap3A_55 = arith.constant 0 : index
      %swap3A_56 = arith.constant 0 : index
      %swap3A_57 = vector.load %arg5[%swap3A, %swap3A_55, %swap3A_56] : memref<1x1x1024xf32, #tpu.memory_space<vmem>>, vector<1x1x1024xf32>
      %swap3A_58 = vector.shape_cast %swap3A_57 : vector<1x1x1024xf32> to vector<1x1024xf32>
      %swap3A_59 = vector.shape_cast %broadcast_in_dim3A_12 : vector<1x1024xf32> to vector<1x1x1024xf32>
      tpu.vector_store %arg5[%swap3A, %swap3A_55, %swap3A_56], %swap3A_59 {strides = array<i32>} : memref<1x1x1024xf32, #tpu.memory_space<vmem>>, vector<1x1x1024xf32>,
    } else {
    }
    %jit3A_34 = arith.constant 4 : i32
    %eq3A_35 = arith.constant 0 : i32
    %eq3A_36 = arith.cmpi eq, %jit3A_34, %eq3A_35 : i32
    %jit3A_37 = arith.constant 1 : i32
    %select_n3A_38 = arith.select %eq3A_36, %jit3A_37, %jit3A_34 : i32
    %rem3A_39 = arith.remsi %arg0, %select_n3A_38 : i32
    %ne3A_40 = arith.constant 0 : i32
    %ne3A_41 = arith.cmpi ne, %rem3A_39, %ne3A_40 : i32
    %lt3A_42 = arith.constant 0 : i32
    %lt3A_43 = arith.cmpi slt, %rem3A_39, %lt3A_42 : i32
    %lt3A_44 = arith.constant 0 : i32
    %lt3A_45 = arith.cmpi slt, %select_n3A_38, %lt3A_44 : i32
    %ne3A_46 = arith.xori %lt3A_43, %lt3A_45 : i1
    %and3A_47 = arith.andi %ne3A_46, %ne3A_41 : i1
    %add3A_48 = arith.addi %rem3A_39, %select_n3A_38 : i32
    %select_n3A_49 = arith.select %and3A_47, %add3A_48, %rem3A_39 : i32
    %gt3A_50 = arith.constant 0 : i32
    %gt3A_51 = arith.cmpi sgt, %select_n3A_49, %gt3A_50 : i32
    %convert_element_type3A_52 = arith.extui %gt3A_51 : i1 to i32
    %cond3A_53 = arith.constant 0 : i32
    %cond3A_54 = arith.cmpi ne, %convert_element_type3A_52, %cond3A_53 : i32
    scf.if %cond3A_54 {
      %get3A_55 = arith.constant 0 : index
      %get3A_56 = arith.constant 0 : index
      %get3A_57 = arith.constant 0 : index
      %get3A_58 = vector.load %arg5[%get3A_55, %get3A_56, %get3A_57] : memref<1x1x1024xf32, #tpu.memory_space<vmem>>, vector<1x1x1024xf32>
      %get3A_59 = vector.shape_cast %get3A_58 : vector<1x1x1024xf32> to vector<1x1024xf32>
      %max3A = arith.maximumf %get3A_59, %broadcast_in_dim3A_12 : vector<1x1024xf32>
      %swap3A = arith.constant 0 : index
      %swap3A_60 = arith.constant 0 : index
      %swap3A_61 = arith.constant 0 : index
      %swap3A_62 = vector.load %arg5[%swap3A, %swap3A_60, %swap3A_61] : memref<1x1x1024xf32, #tpu.memory_space<vmem>>, vector<1x1x1024xf32>
      %swap3A_63 = vector.shape_cast %swap3A_62 : vector<1x1x1024xf32> to vector<1x1024xf32>
      %swap3A_64 = vector.shape_cast %max3A : vector<1x1024xf32> to vector<1x1x1024xf32>
      tpu.vector_store %arg5[%swap3A, %swap3A_60, %swap3A_61], %swap3A_64 {strides = array<i32>} : memref<1x1x1024xf32, #tpu.memory_space<vmem>>, vector<1x1x1024xf32>,
    } else {
    }
    return
  }
  func.func @transform_0(%arg0: i32) -> (i32, i32) {
    %c0_i32 = arith.constant 0 : i32
    %c0_i32_0 = arith.constant 0 : i32
    return %arg0, %c0_i32 : i32, i32
  }
  func.func @transform_1(%arg0: i32) -> (i32, i32) {
    %c0_i32 = arith.constant 0 : i32
    %c0_i32_0 = arith.constant 0 : i32
    %c0_i32_1 = arith.constant 0 : i32
    return %c0_i32, %c0_i32_0 : i32, i32
  }
  func.func @transform_2(%arg0: i32) -> (i32, i32) {
    %c0_i32 = arith.constant 0 : i32
    %c0_i32_0 = arith.constant 0 : i32
    %c0_i32_1 = arith.constant 0 : i32
    return %c0_i32, %c0_i32_0 : i32, i32
  }
  func.func @transform_3(%arg0: i32) -> (i32, i32) {
    %c0_i32 = arith.constant 0 : i32
    %c0_i32_0 = arith.constant 0 : i32
    %c0_i32_1 = arith.constant 0 : i32
    return %c0_i32, %c0_i32_0 : i32, i32
  }
  func.func @transform_4(%arg0: i32) -> (i32, i32, i32) {
    %jit3A = arith.constant 4 : i32
    %div3A = arith.divsi %arg0, %jit3A : i32
    %sign3A = arith.constant 0 : i32
    %sign3A_0 = arith.cmpi sgt, %arg0, %sign3A : i32
    %sign3A_1 = arith.extui %sign3A_0 : i1 to i32
    %sign3A_2 = arith.constant 0 : i32
    %sign3A_3 = arith.cmpi slt, %arg0, %sign3A_2 : i32
    %sign3A_4 = arith.extui %sign3A_3 : i1 to i32
    %sign3A_5 = arith.subi %sign3A_1, %sign3A_4 : i32
    %sign3A_6 = arith.constant 0 : i32
    %sign3A_7 = arith.cmpi sgt, %jit3A, %sign3A_6 : i32
    %sign3A_8 = arith.extui %sign3A_7 : i1 to i32
    %sign3A_9 = arith.constant 0 : i32
    %sign3A_10 = arith.cmpi slt, %jit3A, %sign3A_9 : i32
    %sign3A_11 = arith.extui %sign3A_10 : i1 to i32
    %sign3A_12 = arith.subi %sign3A_8, %sign3A_11 : i32
    %ne3A = arith.cmpi ne, %sign3A_5, %sign3A_12 : i32
    %rem3A = arith.remsi %arg0, %jit3A : i32
    %ne3A_13 = arith.constant 0 : i32
    %ne3A_14 = arith.cmpi ne, %rem3A, %ne3A_13 : i32
    %and3A = arith.andi %ne3A, %ne3A_14 : i1
    %sub3A = arith.constant 1 : i32
    %sub3A_15 = arith.subi %div3A, %sub3A : i32
    %select_n3A = arith.select %and3A, %sub3A_15, %div3A : i32
    %c0_i32 = arith.constant 0 : i32
    %c0_i32_16 = arith.constant 0 : i32
    %c0_i32_17 = arith.constant 0 : i32
    return %select_n3A, %c0_i32, %c0_i32_16 : i32, i32, i32
  }
}

module attributes {stable_mosaic.version = 14 : i64} {
  func.func @_f1_body(%arg0: i32, %arg1: memref<1024x64xf32, #tpu.memory_space<vmem>>, %arg2: memref<1024x64xf32, #tpu.memory_space<vmem>>, %arg3: memref<1024x64xf32, #tpu.memory_space<vmem>>, %arg4: memref<192x512xf32, #tpu.memory_space<vmem>>, %arg5: memref<1024x512xf32, #tpu.memory_space<vmem>>, %arg6: memref<1x1024xf32, #tpu.memory_space<vmem>>, %arg7: memref<1x1024xf32, #tpu.memory_space<vmem>>, %arg8: memref<1x1x1024xf32, #tpu.memory_space<vmem>>, %arg9: memref<1x1024xf32, #tpu.memory_space<vmem>>, %arg10: memref<1x1024xf32, #tpu.memory_space<vmem>>, %arg11: memref<1024x512xf32, #tpu.memory_space<vmem>>, %arg12: memref<1x512xf32, #tpu.memory_space<vmem>>, %arg13: memref<1x512xf32, #tpu.memory_space<vmem>>) attributes {dimension_semantics = [#tpu.dimension_semantics<arbitrary>], iteration_bounds = array<i64: 16>, scalar_prefetch = 0 : i64, scratch_operands = 0 : i64, tpu.core_type = #tpu.core_type<tc>, window_params = [{transform_indices = @transform_0, window_bounds = array<i64: 1024, 64>}, {transform_indices = @transform_1, window_bounds = array<i64: 1024, 64>}, {transform_indices = @transform_2, window_bounds = array<i64: 1024, 64>}, {pipeline_mode = #tpu.pipeline_mode<synchronous>, transform_indices = @transform_3, window_bounds = array<i64: 192, 512>}, {pipeline_mode = #tpu.pipeline_mode<synchronous>, transform_indices = @transform_4, window_bounds = array<i64: 1024, 512>}, {pipeline_mode = #tpu.pipeline_mode<synchronous>, transform_indices = @transform_5, window_bounds = array<i64: 1, 1024>}, {pipeline_mode = #tpu.pipeline_mode<synchronous>, transform_indices = @transform_6, window_bounds = array<i64: 1, 1024>}, {transform_indices = @transform_7, window_bounds = array<i64: 1, 1, 1024>}, {pipeline_mode = #tpu.pipeline_mode<synchronous>, transform_indices = @transform_8, window_bounds = array<i64: 1, 1024>}, {pipeline_mode = #tpu.pipeline_mode<synchronous>, transform_indices = @transform_9, window_bounds = array<i64: 1, 1024>}, {transform_indices = @transform_10, window_bounds = array<i64: 1024, 512>}, {pipeline_mode = #tpu.pipeline_mode<synchronous>, transform_indices = @transform_11, window_bounds = array<i64: 1, 512>}, {pipeline_mode = #tpu.pipeline_mode<synchronous>, transform_indices = @transform_12, window_bounds = array<i64: 1, 512>}]} {
    %get3A = arith.constant 0 : index
    %get3A_0 = arith.constant 0 : index
    %get3A_1 = vector.load %arg6[%get3A, %get3A_0] : memref<1x1024xf32, #tpu.memory_space<vmem>>, vector<1x1024xf32>
    %div3A = arith.constant 1.638400e+04 : f32
    %div3A_2 = vector.broadcast %div3A : f32 to vector<1x1024xf32>
    %div3A_3 = arith.divf %get3A_1, %div3A_2 : vector<1x1024xf32>
    %get3A_4 = arith.constant 0 : index
    %get3A_5 = arith.constant 0 : index
    %get3A_6 = vector.load %arg7[%get3A_4, %get3A_5] : memref<1x1024xf32, #tpu.memory_space<vmem>>, vector<1x1024xf32>
    %div3A_7 = arith.constant 1.638400e+04 : f32
    %div3A_8 = vector.broadcast %div3A_7 : f32 to vector<1x1024xf32>
    %div3A_9 = arith.divf %get3A_6, %div3A_8 : vector<1x1024xf32>
    %mul3A = arith.mulf %div3A_3, %div3A_3 : vector<1x1024xf32>
    %sub3A = arith.subf %div3A_9, %mul3A : vector<1x1024xf32>
    %get3A_10 = arith.constant 0 : index
    %get3A_11 = arith.constant 0 : index
    %get3A_12 = arith.constant 0 : index
    %get3A_13 = vector.load %arg8[%get3A_10, %get3A_11, %get3A_12] : memref<1x1x1024xf32, #tpu.memory_space<vmem>>, vector<1x1x1024xf32>
    %get3A_14 = vector.shape_cast %get3A_13 : vector<1x1x1024xf32> to vector<1x1024xf32>
    %sub3A_15 = arith.subf %get3A_14, %div3A_3 : vector<1x1024xf32>
    %add3A = arith.constant 9.99999974E-6 : f32
    %add3A_16 = vector.broadcast %add3A : f32 to vector<1x1024xf32>
    %add3A_17 = arith.addf %sub3A, %add3A_16 : vector<1x1024xf32>
    %rsqrt3A = math.rsqrt %add3A_17 : vector<1x1024xf32>
    %mul3A_18 = arith.mulf %sub3A_15, %rsqrt3A : vector<1x1024xf32>
    %get3A_19 = arith.constant 0 : index
    %get3A_20 = arith.constant 0 : index
    %get3A_21 = vector.load %arg9[%get3A_19, %get3A_20] : memref<1x1024xf32, #tpu.memory_space<vmem>>, vector<1x1024xf32>
    %mul3A_22 = arith.mulf %mul3A_18, %get3A_21 : vector<1x1024xf32>
    %get3A_23 = arith.constant 0 : index
    %get3A_24 = arith.constant 0 : index
    %get3A_25 = vector.load %arg10[%get3A_23, %get3A_24] : memref<1x1024xf32, #tpu.memory_space<vmem>>, vector<1x1024xf32>
    %add3A_26 = arith.addf %mul3A_22, %get3A_25 : vector<1x1024xf32>
    %jit3A = arith.constant 2.000000e-01 : f32
    %ge3A = arith.constant 0.000000e+00 : f32
    %ge3A_27 = vector.broadcast %ge3A : f32 to vector<1x1024xf32>
    %ge3A_28 = arith.cmpf oge, %add3A_26, %ge3A_27 : vector<1x1024xf32>
    %mul3A_29 = vector.broadcast %jit3A : f32 to vector<1x1024xf32>
    %mul3A_30 = arith.mulf %mul3A_29, %add3A_26 : vector<1x1024xf32>
    %select_n3A = arith.select %ge3A_28, %add3A_26, %mul3A_30 : vector<1x1024xi1>, vector<1x1024xf32>
    %get3A_31 = arith.constant 0 : index
    %get3A_32 = arith.constant 0 : index
    %get3A_33 = vector.load %arg5[%get3A_31, %get3A_32] : memref<1024x512xf32, #tpu.memory_space<vmem>>, vector<1024x512xf32>
    %convert_element_type3A = arith.truncf %select_n3A : vector<1x1024xf32> to vector<1x1024xbf16>
    %convert_element_type3A_34 = arith.truncf %get3A_33 : vector<1024x512xf32> to vector<1024x512xbf16>
    %dot_general3A = arith.constant dense<0.000000e+00> : vector<1x512xf32>
    %dot_general3A_35 = tpu.matmul %convert_element_type3A, %convert_element_type3A_34, %dot_general3A {dimension_numbers = #tpu.dot_dimension_numbers<[1], [0], [0], [1], [0, 0, 1, 1], [], []>, transpose_lhs_hint = false} : vector<1x1024xbf16>, vector<1024x512xbf16>, vector<1x512xf32> -> vector<1x512xf32>
    %get3A_36 = arith.constant 0 : index
    %get3A_37 = arith.constant 0 : index
    %get3A_38 = vector.load %arg1[%get3A_36, %get3A_37] : memref<1024x64xf32, #tpu.memory_space<vmem>>, vector<1024x64xf32>
    %get3A_39 = arith.constant 0 : index
    %get3A_40 = arith.constant 0 : index
    %get3A_41 = vector.load %arg2[%get3A_39, %get3A_40] : memref<1024x64xf32, #tpu.memory_space<vmem>>, vector<1024x64xf32>
    %get3A_42 = arith.constant 0 : index
    %get3A_43 = arith.constant 0 : index
    %get3A_44 = vector.load %arg3[%get3A_42, %get3A_43] : memref<1024x64xf32, #tpu.memory_space<vmem>>, vector<1024x64xf32>
    %concatenate3A = tpu.concatenate %get3A_38, %get3A_41, %get3A_44 in 1 : vector<1024x64xf32>, vector<1024x64xf32>, vector<1024x64xf32> -> vector<1024x192xf32>
    %get3A_45 = arith.constant 0 : index
    %get3A_46 = arith.constant 0 : index
    %get3A_47 = vector.load %arg4[%get3A_45, %get3A_46] : memref<192x512xf32, #tpu.memory_space<vmem>>, vector<192x512xf32>
    %convert_element_type3A_48 = arith.truncf %concatenate3A : vector<1024x192xf32> to vector<1024x192xbf16>
    %convert_element_type3A_49 = arith.truncf %get3A_47 : vector<192x512xf32> to vector<192x512xbf16>
    %dot_general3A_50 = arith.constant dense<0.000000e+00> : vector<1024x512xf32>
    %dot_general3A_51 = tpu.matmul %convert_element_type3A_48, %convert_element_type3A_49, %dot_general3A_50 {dimension_numbers = #tpu.dot_dimension_numbers<[1], [0], [0], [1], [0, 0, 1, 1], [], []>, transpose_lhs_hint = false} : vector<1024x192xbf16>, vector<192x512xbf16>, vector<1024x512xf32> -> vector<1024x512xf32>
    %add3A_52 = vector.broadcast %dot_general3A_35 : vector<1x512xf32> to vector<1024x512xf32>
    %add3A_53 = arith.addf %dot_general3A_51, %add3A_52 : vector<1024x512xf32>
    %swap3A = arith.constant 0 : index
    %swap3A_54 = arith.constant 0 : index
    %swap3A_55 = vector.load %arg11[%swap3A, %swap3A_54] : memref<1024x512xf32, #tpu.memory_space<vmem>>, vector<1024x512xf32>
    tpu.vector_store %arg11[%swap3A, %swap3A_54], %add3A_53 {strides = array<i32>} : memref<1024x512xf32, #tpu.memory_space<vmem>>, vector<1024x512xf32>,
    %reduce_sum3A = arith.constant dense<0.000000e+00> : vector<512xf32>
    %reduce_sum3A_56 = vector.multi_reduction <add>, %add3A_53, %reduce_sum3A [0] : vector<1024x512xf32> to vector<512xf32>
    %broadcast_in_dim3A = vector.shape_cast %reduce_sum3A_56 : vector<512xf32> to vector<1x512xf32>
    %mul3A_57 = arith.mulf %add3A_53, %add3A_53 : vector<1024x512xf32>
    %reduce_sum3A_58 = arith.constant dense<0.000000e+00> : vector<512xf32>
    %reduce_sum3A_59 = vector.multi_reduction <add>, %mul3A_57, %reduce_sum3A_58 [0] : vector<1024x512xf32> to vector<512xf32>
    %broadcast_in_dim3A_60 = vector.shape_cast %reduce_sum3A_59 : vector<512xf32> to vector<1x512xf32>
    %eq3A = arith.constant 0 : i32
    %eq3A_61 = arith.cmpi eq, %arg0, %eq3A : i32
    %convert_element_type3A_62 = arith.extui %eq3A_61 : i1 to i32
    %cond3A = arith.constant 0 : i32
    %cond3A_63 = arith.cmpi ne, %convert_element_type3A_62, %cond3A : i32
    scf.if %cond3A_63 {
      %swap3A_68 = arith.constant 0 : index
      %swap3A_69 = arith.constant 0 : index
      %swap3A_70 = vector.load %arg12[%swap3A_68, %swap3A_69] : memref<1x512xf32, #tpu.memory_space<vmem>>, vector<1x512xf32>
      tpu.vector_store %arg12[%swap3A_68, %swap3A_69], %broadcast_in_dim3A {strides = array<i32>} : memref<1x512xf32, #tpu.memory_space<vmem>>, vector<1x512xf32>,
      %swap3A_71 = arith.constant 0 : index
      %swap3A_72 = arith.constant 0 : index
      %swap3A_73 = vector.load %arg13[%swap3A_71, %swap3A_72] : memref<1x512xf32, #tpu.memory_space<vmem>>, vector<1x512xf32>
      tpu.vector_store %arg13[%swap3A_71, %swap3A_72], %broadcast_in_dim3A_60 {strides = array<i32>} : memref<1x512xf32, #tpu.memory_space<vmem>>, vector<1x512xf32>,
    } else {
    }
    %gt3A = arith.constant 0 : i32
    %gt3A_64 = arith.cmpi sgt, %arg0, %gt3A : i32
    %convert_element_type3A_65 = arith.extui %gt3A_64 : i1 to i32
    %cond3A_66 = arith.constant 0 : i32
    %cond3A_67 = arith.cmpi ne, %convert_element_type3A_65, %cond3A_66 : i32
    scf.if %cond3A_67 {
      %get3A_68 = arith.constant 0 : index
      %get3A_69 = arith.constant 0 : index
      %get3A_70 = vector.load %arg12[%get3A_68, %get3A_69] : memref<1x512xf32, #tpu.memory_space<vmem>>, vector<1x512xf32>
      %add3A_71 = arith.addf %get3A_70, %broadcast_in_dim3A : vector<1x512xf32>
      %swap3A_72 = arith.constant 0 : index
      %swap3A_73 = arith.constant 0 : index
      %swap3A_74 = vector.load %arg12[%swap3A_72, %swap3A_73] : memref<1x512xf32, #tpu.memory_space<vmem>>, vector<1x512xf32>
      tpu.vector_store %arg12[%swap3A_72, %swap3A_73], %add3A_71 {strides = array<i32>} : memref<1x512xf32, #tpu.memory_space<vmem>>, vector<1x512xf32>,
      %get3A_75 = arith.constant 0 : index
      %get3A_76 = arith.constant 0 : index
      %get3A_77 = vector.load %arg13[%get3A_75, %get3A_76] : memref<1x512xf32, #tpu.memory_space<vmem>>, vector<1x512xf32>
      %add3A_78 = arith.addf %get3A_77, %broadcast_in_dim3A_60 : vector<1x512xf32>
      %swap3A_79 = arith.constant 0 : index
      %swap3A_80 = arith.constant 0 : index
      %swap3A_81 = vector.load %arg13[%swap3A_79, %swap3A_80] : memref<1x512xf32, #tpu.memory_space<vmem>>, vector<1x512xf32>
      tpu.vector_store %arg13[%swap3A_79, %swap3A_80], %add3A_78 {strides = array<i32>} : memref<1x512xf32, #tpu.memory_space<vmem>>, vector<1x512xf32>,
    } else {
    }
    return
  }
  func.func @transform_0(%arg0: i32) -> (i32, i32) {
    %c0_i32 = arith.constant 0 : i32
    %c0_i32_0 = arith.constant 0 : i32
    return %arg0, %c0_i32 : i32, i32
  }
  func.func @transform_1(%arg0: i32) -> (i32, i32) {
    %c0_i32 = arith.constant 0 : i32
    %c0_i32_0 = arith.constant 0 : i32
    return %arg0, %c0_i32 : i32, i32
  }
  func.func @transform_2(%arg0: i32) -> (i32, i32) {
    %c0_i32 = arith.constant 0 : i32
    %c0_i32_0 = arith.constant 0 : i32
    return %arg0, %c0_i32 : i32, i32
  }
  func.func @transform_3(%arg0: i32) -> (i32, i32) {
    %c0_i32 = arith.constant 0 : i32
    %c0_i32_0 = arith.constant 0 : i32
    %c0_i32_1 = arith.constant 0 : i32
    return %c0_i32, %c0_i32_0 : i32, i32
  }
  func.func @transform_4(%arg0: i32) -> (i32, i32) {
    %c0_i32 = arith.constant 0 : i32
    %c0_i32_0 = arith.constant 0 : i32
    %c0_i32_1 = arith.constant 0 : i32
    return %c0_i32, %c0_i32_0 : i32, i32
  }
  func.func @transform_5(%arg0: i32) -> (i32, i32) {
    %c0_i32 = arith.constant 0 : i32
    %c0_i32_0 = arith.constant 0 : i32
    %c0_i32_1 = arith.constant 0 : i32
    return %c0_i32, %c0_i32_0 : i32, i32
  }
  func.func @transform_6(%arg0: i32) -> (i32, i32) {
    %c0_i32 = arith.constant 0 : i32
    %c0_i32_0 = arith.constant 0 : i32
    %c0_i32_1 = arith.constant 0 : i32
    return %c0_i32, %c0_i32_0 : i32, i32
  }
  func.func @transform_7(%arg0: i32) -> (i32, i32, i32) {
    %jit3A = arith.constant 4 : i32
    %div3A = arith.divsi %arg0, %jit3A : i32
    %sign3A = arith.constant 0 : i32
    %sign3A_0 = arith.cmpi sgt, %arg0, %sign3A : i32
    %sign3A_1 = arith.extui %sign3A_0 : i1 to i32
    %sign3A_2 = arith.constant 0 : i32
    %sign3A_3 = arith.cmpi slt, %arg0, %sign3A_2 : i32
    %sign3A_4 = arith.extui %sign3A_3 : i1 to i32
    %sign3A_5 = arith.subi %sign3A_1, %sign3A_4 : i32
    %sign3A_6 = arith.constant 0 : i32
    %sign3A_7 = arith.cmpi sgt, %jit3A, %sign3A_6 : i32
    %sign3A_8 = arith.extui %sign3A_7 : i1 to i32
    %sign3A_9 = arith.constant 0 : i32
    %sign3A_10 = arith.cmpi slt, %jit3A, %sign3A_9 : i32
    %sign3A_11 = arith.extui %sign3A_10 : i1 to i32
    %sign3A_12 = arith.subi %sign3A_8, %sign3A_11 : i32
    %ne3A = arith.cmpi ne, %sign3A_5, %sign3A_12 : i32
    %rem3A = arith.remsi %arg0, %jit3A : i32
    %ne3A_13 = arith.constant 0 : i32
    %ne3A_14 = arith.cmpi ne, %rem3A, %ne3A_13 : i32
    %and3A = arith.andi %ne3A, %ne3A_14 : i1
    %sub3A = arith.constant 1 : i32
    %sub3A_15 = arith.subi %div3A, %sub3A : i32
    %select_n3A = arith.select %and3A, %sub3A_15, %div3A : i32
    %c0_i32 = arith.constant 0 : i32
    %c0_i32_16 = arith.constant 0 : i32
    %c0_i32_17 = arith.constant 0 : i32
    return %select_n3A, %c0_i32, %c0_i32_16 : i32, i32, i32
  }
  func.func @transform_8(%arg0: i32) -> (i32, i32) {
    %c0_i32 = arith.constant 0 : i32
    %c0_i32_0 = arith.constant 0 : i32
    %c0_i32_1 = arith.constant 0 : i32
    return %c0_i32, %c0_i32_0 : i32, i32
  }
  func.func @transform_9(%arg0: i32) -> (i32, i32) {
    %c0_i32 = arith.constant 0 : i32
    %c0_i32_0 = arith.constant 0 : i32
    %c0_i32_1 = arith.constant 0 : i32
    return %c0_i32, %c0_i32_0 : i32, i32
  }
  func.func @transform_10(%arg0: i32) -> (i32, i32) {
    %c0_i32 = arith.constant 0 : i32
    %c0_i32_0 = arith.constant 0 : i32
    return %arg0, %c0_i32 : i32, i32
  }
  func.func @transform_11(%arg0: i32) -> (i32, i32) {
    %c0_i32 = arith.constant 0 : i32
    %c0_i32_0 = arith.constant 0 : i32
    %c0_i32_1 = arith.constant 0 : i32
    return %c0_i32, %c0_i32_0 : i32, i32
  }
  func.func @transform_12(%arg0: i32) -> (i32, i32) {
    %c0_i32 = arith.constant 0 : i32
    %c0_i32_0 = arith.constant 0 : i32
    %c0_i32_1 = arith.constant 0 : i32
    return %c0_i32, %c0_i32_0 : i32, i32
  }
}

module attributes {stable_mosaic.version = 14 : i64} {
  func.func @_mid_body(%arg0: i32, %arg1: memref<1024x512xf32, #tpu.memory_space<vmem>>, %arg2: memref<1x512xf32, #tpu.memory_space<vmem>>, %arg3: memref<1x512xf32, #tpu.memory_space<vmem>>, %arg4: memref<1x512xf32, #tpu.memory_space<vmem>>, %arg5: memref<1x512xf32, #tpu.memory_space<vmem>>, %arg6: memref<512x256xf32, #tpu.memory_space<vmem>>, %arg7: memref<1024x256xf32, #tpu.memory_space<vmem>>, %arg8: memref<1x256xf32, #tpu.memory_space<vmem>>, %arg9: memref<1x256xf32, #tpu.memory_space<vmem>>) attributes {dimension_semantics = [#tpu.dimension_semantics<arbitrary>], iteration_bounds = array<i64: 16>, scalar_prefetch = 0 : i64, scratch_operands = 0 : i64, tpu.core_type = #tpu.core_type<tc>, window_params = [{transform_indices = @transform_0, window_bounds = array<i64: 1024, 512>}, {pipeline_mode = #tpu.pipeline_mode<synchronous>, transform_indices = @transform_1, window_bounds = array<i64: 1, 512>}, {pipeline_mode = #tpu.pipeline_mode<synchronous>, transform_indices = @transform_2, window_bounds = array<i64: 1, 512>}, {pipeline_mode = #tpu.pipeline_mode<synchronous>, transform_indices = @transform_3, window_bounds = array<i64: 1, 512>}, {pipeline_mode = #tpu.pipeline_mode<synchronous>, transform_indices = @transform_4, window_bounds = array<i64: 1, 512>}, {pipeline_mode = #tpu.pipeline_mode<synchronous>, transform_indices = @transform_5, window_bounds = array<i64: 512, 256>}, {transform_indices = @transform_6, window_bounds = array<i64: 1024, 256>}, {pipeline_mode = #tpu.pipeline_mode<synchronous>, transform_indices = @transform_7, window_bounds = array<i64: 1, 256>}, {pipeline_mode = #tpu.pipeline_mode<synchronous>, transform_indices = @transform_8, window_bounds = array<i64: 1, 256>}]} {
    %get3A = arith.constant 0 : index
    %get3A_0 = arith.constant 0 : index
    %get3A_1 = vector.load %arg2[%get3A, %get3A_0] : memref<1x512xf32, #tpu.memory_space<vmem>>, vector<1x512xf32>
    %div3A = arith.constant 1.638400e+04 : f32
    %div3A_2 = vector.broadcast %div3A : f32 to vector<1x512xf32>
    %div3A_3 = arith.divf %get3A_1, %div3A_2 : vector<1x512xf32>
    %get3A_4 = arith.constant 0 : index
    %get3A_5 = arith.constant 0 : index
    %get3A_6 = vector.load %arg3[%get3A_4, %get3A_5] : memref<1x512xf32, #tpu.memory_space<vmem>>, vector<1x512xf32>
    %div3A_7 = arith.constant 1.638400e+04 : f32
    %div3A_8 = vector.broadcast %div3A_7 : f32 to vector<1x512xf32>
    %div3A_9 = arith.divf %get3A_6, %div3A_8 : vector<1x512xf32>
    %mul3A = arith.mulf %div3A_3, %div3A_3 : vector<1x512xf32>
    %sub3A = arith.subf %div3A_9, %mul3A : vector<1x512xf32>
    %get3A_10 = arith.constant 0 : index
    %get3A_11 = arith.constant 0 : index
    %get3A_12 = vector.load %arg1[%get3A_10, %get3A_11] : memref<1024x512xf32, #tpu.memory_space<vmem>>, vector<1024x512xf32>
    %sub3A_13 = vector.broadcast %div3A_3 : vector<1x512xf32> to vector<1024x512xf32>
    %sub3A_14 = arith.subf %get3A_12, %sub3A_13 : vector<1024x512xf32>
    %add3A = arith.constant 9.99999974E-6 : f32
    %add3A_15 = vector.broadcast %add3A : f32 to vector<1x512xf32>
    %add3A_16 = arith.addf %sub3A, %add3A_15 : vector<1x512xf32>
    %rsqrt3A = math.rsqrt %add3A_16 : vector<1x512xf32>
    %mul3A_17 = vector.broadcast %rsqrt3A : vector<1x512xf32> to vector<1024x512xf32>
    %mul3A_18 = arith.mulf %sub3A_14, %mul3A_17 : vector<1024x512xf32>
    %get3A_19 = arith.constant 0 : index
    %get3A_20 = arith.constant 0 : index
    %get3A_21 = vector.load %arg4[%get3A_19, %get3A_20] : memref<1x512xf32, #tpu.memory_space<vmem>>, vector<1x512xf32>
    %mul3A_22 = vector.broadcast %get3A_21 : vector<1x512xf32> to vector<1024x512xf32>
    %mul3A_23 = arith.mulf %mul3A_18, %mul3A_22 : vector<1024x512xf32>
    %get3A_24 = arith.constant 0 : index
    %get3A_25 = arith.constant 0 : index
    %get3A_26 = vector.load %arg5[%get3A_24, %get3A_25] : memref<1x512xf32, #tpu.memory_space<vmem>>, vector<1x512xf32>
    %add3A_27 = vector.broadcast %get3A_26 : vector<1x512xf32> to vector<1024x512xf32>
    %add3A_28 = arith.addf %mul3A_23, %add3A_27 : vector<1024x512xf32>
    %jit3A = arith.constant 2.000000e-01 : f32
    %ge3A = arith.constant 0.000000e+00 : f32
    %ge3A_29 = vector.broadcast %ge3A : f32 to vector<1024x512xf32>
    %ge3A_30 = arith.cmpf oge, %add3A_28, %ge3A_29 : vector<1024x512xf32>
    %mul3A_31 = vector.broadcast %jit3A : f32 to vector<1024x512xf32>
    %mul3A_32 = arith.mulf %mul3A_31, %add3A_28 : vector<1024x512xf32>
    %select_n3A = arith.select %ge3A_30, %add3A_28, %mul3A_32 : vector<1024x512xi1>, vector<1024x512xf32>
    %get3A_33 = arith.constant 0 : index
    %get3A_34 = arith.constant 0 : index
    %get3A_35 = vector.load %arg6[%get3A_33, %get3A_34] : memref<512x256xf32, #tpu.memory_space<vmem>>, vector<512x256xf32>
    %convert_element_type3A = arith.truncf %select_n3A : vector<1024x512xf32> to vector<1024x512xbf16>
    %convert_element_type3A_36 = arith.truncf %get3A_35 : vector<512x256xf32> to vector<512x256xbf16>
    %dot_general3A = arith.constant dense<0.000000e+00> : vector<1024x256xf32>
    %dot_general3A_37 = tpu.matmul %convert_element_type3A, %convert_element_type3A_36, %dot_general3A {dimension_numbers = #tpu.dot_dimension_numbers<[1], [0], [0], [1], [0, 0, 1, 1], [], []>, transpose_lhs_hint = false} : vector<1024x512xbf16>, vector<512x256xbf16>, vector<1024x256xf32> -> vector<1024x256xf32>
    %swap3A = arith.constant 0 : index
    %swap3A_38 = arith.constant 0 : index
    %swap3A_39 = vector.load %arg7[%swap3A, %swap3A_38] : memref<1024x256xf32, #tpu.memory_space<vmem>>, vector<1024x256xf32>
    tpu.vector_store %arg7[%swap3A, %swap3A_38], %dot_general3A_37 {strides = array<i32>} : memref<1024x256xf32, #tpu.memory_space<vmem>>, vector<1024x256xf32>,
    %reduce_sum3A = arith.constant dense<0.000000e+00> : vector<256xf32>
    %reduce_sum3A_40 = vector.multi_reduction <add>, %dot_general3A_37, %reduce_sum3A [0] : vector<1024x256xf32> to vector<256xf32>
    %broadcast_in_dim3A = vector.shape_cast %reduce_sum3A_40 : vector<256xf32> to vector<1x256xf32>
    %mul3A_41 = arith.mulf %dot_general3A_37, %dot_general3A_37 : vector<1024x256xf32>
    %reduce_sum3A_42 = arith.constant dense<0.000000e+00> : vector<256xf32>
    %reduce_sum3A_43 = vector.multi_reduction <add>, %mul3A_41, %reduce_sum3A_42 [0] : vector<1024x256xf32> to vector<256xf32>
    %broadcast_in_dim3A_44 = vector.shape_cast %reduce_sum3A_43 : vector<256xf32> to vector<1x256xf32>
    %eq3A = arith.constant 0 : i32
    %eq3A_45 = arith.cmpi eq, %arg0, %eq3A : i32
    %convert_element_type3A_46 = arith.extui %eq3A_45 : i1 to i32
    %cond3A = arith.constant 0 : i32
    %cond3A_47 = arith.cmpi ne, %convert_element_type3A_46, %cond3A : i32
    scf.if %cond3A_47 {
      %swap3A_52 = arith.constant 0 : index
      %swap3A_53 = arith.constant 0 : index
      %swap3A_54 = vector.load %arg8[%swap3A_52, %swap3A_53] : memref<1x256xf32, #tpu.memory_space<vmem>>, vector<1x256xf32>
      tpu.vector_store %arg8[%swap3A_52, %swap3A_53], %broadcast_in_dim3A {strides = array<i32>} : memref<1x256xf32, #tpu.memory_space<vmem>>, vector<1x256xf32>,
      %swap3A_55 = arith.constant 0 : index
      %swap3A_56 = arith.constant 0 : index
      %swap3A_57 = vector.load %arg9[%swap3A_55, %swap3A_56] : memref<1x256xf32, #tpu.memory_space<vmem>>, vector<1x256xf32>
      tpu.vector_store %arg9[%swap3A_55, %swap3A_56], %broadcast_in_dim3A_44 {strides = array<i32>} : memref<1x256xf32, #tpu.memory_space<vmem>>, vector<1x256xf32>,
    } else {
    }
    %gt3A = arith.constant 0 : i32
    %gt3A_48 = arith.cmpi sgt, %arg0, %gt3A : i32
    %convert_element_type3A_49 = arith.extui %gt3A_48 : i1 to i32
    %cond3A_50 = arith.constant 0 : i32
    %cond3A_51 = arith.cmpi ne, %convert_element_type3A_49, %cond3A_50 : i32
    scf.if %cond3A_51 {
      %get3A_52 = arith.constant 0 : index
      %get3A_53 = arith.constant 0 : index
      %get3A_54 = vector.load %arg8[%get3A_52, %get3A_53] : memref<1x256xf32, #tpu.memory_space<vmem>>, vector<1x256xf32>
      %add3A_55 = arith.addf %get3A_54, %broadcast_in_dim3A : vector<1x256xf32>
      %swap3A_56 = arith.constant 0 : index
      %swap3A_57 = arith.constant 0 : index
      %swap3A_58 = vector.load %arg8[%swap3A_56, %swap3A_57] : memref<1x256xf32, #tpu.memory_space<vmem>>, vector<1x256xf32>
      tpu.vector_store %arg8[%swap3A_56, %swap3A_57], %add3A_55 {strides = array<i32>} : memref<1x256xf32, #tpu.memory_space<vmem>>, vector<1x256xf32>,
      %get3A_59 = arith.constant 0 : index
      %get3A_60 = arith.constant 0 : index
      %get3A_61 = vector.load %arg9[%get3A_59, %get3A_60] : memref<1x256xf32, #tpu.memory_space<vmem>>, vector<1x256xf32>
      %add3A_62 = arith.addf %get3A_61, %broadcast_in_dim3A_44 : vector<1x256xf32>
      %swap3A_63 = arith.constant 0 : index
      %swap3A_64 = arith.constant 0 : index
      %swap3A_65 = vector.load %arg9[%swap3A_63, %swap3A_64] : memref<1x256xf32, #tpu.memory_space<vmem>>, vector<1x256xf32>
      tpu.vector_store %arg9[%swap3A_63, %swap3A_64], %add3A_62 {strides = array<i32>} : memref<1x256xf32, #tpu.memory_space<vmem>>, vector<1x256xf32>,
    } else {
    }
    return
  }
  func.func @transform_0(%arg0: i32) -> (i32, i32) {
    %c0_i32 = arith.constant 0 : i32
    %c0_i32_0 = arith.constant 0 : i32
    return %arg0, %c0_i32 : i32, i32
  }
  func.func @transform_1(%arg0: i32) -> (i32, i32) {
    %c0_i32 = arith.constant 0 : i32
    %c0_i32_0 = arith.constant 0 : i32
    %c0_i32_1 = arith.constant 0 : i32
    return %c0_i32, %c0_i32_0 : i32, i32
  }
  func.func @transform_2(%arg0: i32) -> (i32, i32) {
    %c0_i32 = arith.constant 0 : i32
    %c0_i32_0 = arith.constant 0 : i32
    %c0_i32_1 = arith.constant 0 : i32
    return %c0_i32, %c0_i32_0 : i32, i32
  }
  func.func @transform_3(%arg0: i32) -> (i32, i32) {
    %c0_i32 = arith.constant 0 : i32
    %c0_i32_0 = arith.constant 0 : i32
    %c0_i32_1 = arith.constant 0 : i32
    return %c0_i32, %c0_i32_0 : i32, i32
  }
  func.func @transform_4(%arg0: i32) -> (i32, i32) {
    %c0_i32 = arith.constant 0 : i32
    %c0_i32_0 = arith.constant 0 : i32
    %c0_i32_1 = arith.constant 0 : i32
    return %c0_i32, %c0_i32_0 : i32, i32
  }
  func.func @transform_5(%arg0: i32) -> (i32, i32) {
    %c0_i32 = arith.constant 0 : i32
    %c0_i32_0 = arith.constant 0 : i32
    %c0_i32_1 = arith.constant 0 : i32
    return %c0_i32, %c0_i32_0 : i32, i32
  }
  func.func @transform_6(%arg0: i32) -> (i32, i32) {
    %c0_i32 = arith.constant 0 : i32
    %c0_i32_0 = arith.constant 0 : i32
    return %arg0, %c0_i32 : i32, i32
  }
  func.func @transform_7(%arg0: i32) -> (i32, i32) {
    %c0_i32 = arith.constant 0 : i32
    %c0_i32_0 = arith.constant 0 : i32
    %c0_i32_1 = arith.constant 0 : i32
    return %c0_i32, %c0_i32_0 : i32, i32
  }
  func.func @transform_8(%arg0: i32) -> (i32, i32) {
    %c0_i32 = arith.constant 0 : i32
    %c0_i32_0 = arith.constant 0 : i32
    %c0_i32_1 = arith.constant 0 : i32
    return %c0_i32, %c0_i32_0 : i32, i32
  }
}

module attributes {stable_mosaic.version = 14 : i64} {
  func.func @_mid_body(%arg0: i32, %arg1: memref<1024x256xf32, #tpu.memory_space<vmem>>, %arg2: memref<1x256xf32, #tpu.memory_space<vmem>>, %arg3: memref<1x256xf32, #tpu.memory_space<vmem>>, %arg4: memref<1x256xf32, #tpu.memory_space<vmem>>, %arg5: memref<1x256xf32, #tpu.memory_space<vmem>>, %arg6: memref<256x128xf32, #tpu.memory_space<vmem>>, %arg7: memref<1024x128xf32, #tpu.memory_space<vmem>>, %arg8: memref<1x128xf32, #tpu.memory_space<vmem>>, %arg9: memref<1x128xf32, #tpu.memory_space<vmem>>) attributes {dimension_semantics = [#tpu.dimension_semantics<arbitrary>], iteration_bounds = array<i64: 16>, scalar_prefetch = 0 : i64, scratch_operands = 0 : i64, tpu.core_type = #tpu.core_type<tc>, window_params = [{transform_indices = @transform_0, window_bounds = array<i64: 1024, 256>}, {pipeline_mode = #tpu.pipeline_mode<synchronous>, transform_indices = @transform_1, window_bounds = array<i64: 1, 256>}, {pipeline_mode = #tpu.pipeline_mode<synchronous>, transform_indices = @transform_2, window_bounds = array<i64: 1, 256>}, {pipeline_mode = #tpu.pipeline_mode<synchronous>, transform_indices = @transform_3, window_bounds = array<i64: 1, 256>}, {pipeline_mode = #tpu.pipeline_mode<synchronous>, transform_indices = @transform_4, window_bounds = array<i64: 1, 256>}, {pipeline_mode = #tpu.pipeline_mode<synchronous>, transform_indices = @transform_5, window_bounds = array<i64: 256, 128>}, {transform_indices = @transform_6, window_bounds = array<i64: 1024, 128>}, {pipeline_mode = #tpu.pipeline_mode<synchronous>, transform_indices = @transform_7, window_bounds = array<i64: 1, 128>}, {pipeline_mode = #tpu.pipeline_mode<synchronous>, transform_indices = @transform_8, window_bounds = array<i64: 1, 128>}]} {
    %get3A = arith.constant 0 : index
    %get3A_0 = arith.constant 0 : index
    %get3A_1 = vector.load %arg2[%get3A, %get3A_0] : memref<1x256xf32, #tpu.memory_space<vmem>>, vector<1x256xf32>
    %div3A = arith.constant 1.638400e+04 : f32
    %div3A_2 = vector.broadcast %div3A : f32 to vector<1x256xf32>
    %div3A_3 = arith.divf %get3A_1, %div3A_2 : vector<1x256xf32>
    %get3A_4 = arith.constant 0 : index
    %get3A_5 = arith.constant 0 : index
    %get3A_6 = vector.load %arg3[%get3A_4, %get3A_5] : memref<1x256xf32, #tpu.memory_space<vmem>>, vector<1x256xf32>
    %div3A_7 = arith.constant 1.638400e+04 : f32
    %div3A_8 = vector.broadcast %div3A_7 : f32 to vector<1x256xf32>
    %div3A_9 = arith.divf %get3A_6, %div3A_8 : vector<1x256xf32>
    %mul3A = arith.mulf %div3A_3, %div3A_3 : vector<1x256xf32>
    %sub3A = arith.subf %div3A_9, %mul3A : vector<1x256xf32>
    %get3A_10 = arith.constant 0 : index
    %get3A_11 = arith.constant 0 : index
    %get3A_12 = vector.load %arg1[%get3A_10, %get3A_11] : memref<1024x256xf32, #tpu.memory_space<vmem>>, vector<1024x256xf32>
    %sub3A_13 = vector.broadcast %div3A_3 : vector<1x256xf32> to vector<1024x256xf32>
    %sub3A_14 = arith.subf %get3A_12, %sub3A_13 : vector<1024x256xf32>
    %add3A = arith.constant 9.99999974E-6 : f32
    %add3A_15 = vector.broadcast %add3A : f32 to vector<1x256xf32>
    %add3A_16 = arith.addf %sub3A, %add3A_15 : vector<1x256xf32>
    %rsqrt3A = math.rsqrt %add3A_16 : vector<1x256xf32>
    %mul3A_17 = vector.broadcast %rsqrt3A : vector<1x256xf32> to vector<1024x256xf32>
    %mul3A_18 = arith.mulf %sub3A_14, %mul3A_17 : vector<1024x256xf32>
    %get3A_19 = arith.constant 0 : index
    %get3A_20 = arith.constant 0 : index
    %get3A_21 = vector.load %arg4[%get3A_19, %get3A_20] : memref<1x256xf32, #tpu.memory_space<vmem>>, vector<1x256xf32>
    %mul3A_22 = vector.broadcast %get3A_21 : vector<1x256xf32> to vector<1024x256xf32>
    %mul3A_23 = arith.mulf %mul3A_18, %mul3A_22 : vector<1024x256xf32>
    %get3A_24 = arith.constant 0 : index
    %get3A_25 = arith.constant 0 : index
    %get3A_26 = vector.load %arg5[%get3A_24, %get3A_25] : memref<1x256xf32, #tpu.memory_space<vmem>>, vector<1x256xf32>
    %add3A_27 = vector.broadcast %get3A_26 : vector<1x256xf32> to vector<1024x256xf32>
    %add3A_28 = arith.addf %mul3A_23, %add3A_27 : vector<1024x256xf32>
    %jit3A = arith.constant 2.000000e-01 : f32
    %ge3A = arith.constant 0.000000e+00 : f32
    %ge3A_29 = vector.broadcast %ge3A : f32 to vector<1024x256xf32>
    %ge3A_30 = arith.cmpf oge, %add3A_28, %ge3A_29 : vector<1024x256xf32>
    %mul3A_31 = vector.broadcast %jit3A : f32 to vector<1024x256xf32>
    %mul3A_32 = arith.mulf %mul3A_31, %add3A_28 : vector<1024x256xf32>
    %select_n3A = arith.select %ge3A_30, %add3A_28, %mul3A_32 : vector<1024x256xi1>, vector<1024x256xf32>
    %get3A_33 = arith.constant 0 : index
    %get3A_34 = arith.constant 0 : index
    %get3A_35 = vector.load %arg6[%get3A_33, %get3A_34] : memref<256x128xf32, #tpu.memory_space<vmem>>, vector<256x128xf32>
    %convert_element_type3A = arith.truncf %select_n3A : vector<1024x256xf32> to vector<1024x256xbf16>
    %convert_element_type3A_36 = arith.truncf %get3A_35 : vector<256x128xf32> to vector<256x128xbf16>
    %dot_general3A = arith.constant dense<0.000000e+00> : vector<1024x128xf32>
    %dot_general3A_37 = tpu.matmul %convert_element_type3A, %convert_element_type3A_36, %dot_general3A {dimension_numbers = #tpu.dot_dimension_numbers<[1], [0], [0], [1], [0, 0, 1, 1], [], []>, transpose_lhs_hint = false} : vector<1024x256xbf16>, vector<256x128xbf16>, vector<1024x128xf32> -> vector<1024x128xf32>
    %swap3A = arith.constant 0 : index
    %swap3A_38 = arith.constant 0 : index
    %swap3A_39 = vector.load %arg7[%swap3A, %swap3A_38] : memref<1024x128xf32, #tpu.memory_space<vmem>>, vector<1024x128xf32>
    tpu.vector_store %arg7[%swap3A, %swap3A_38], %dot_general3A_37 {strides = array<i32>} : memref<1024x128xf32, #tpu.memory_space<vmem>>, vector<1024x128xf32>,
    %reduce_sum3A = arith.constant dense<0.000000e+00> : vector<128xf32>
    %reduce_sum3A_40 = vector.multi_reduction <add>, %dot_general3A_37, %reduce_sum3A [0] : vector<1024x128xf32> to vector<128xf32>
    %broadcast_in_dim3A = vector.shape_cast %reduce_sum3A_40 : vector<128xf32> to vector<1x128xf32>
    %mul3A_41 = arith.mulf %dot_general3A_37, %dot_general3A_37 : vector<1024x128xf32>
    %reduce_sum3A_42 = arith.constant dense<0.000000e+00> : vector<128xf32>
    %reduce_sum3A_43 = vector.multi_reduction <add>, %mul3A_41, %reduce_sum3A_42 [0] : vector<1024x128xf32> to vector<128xf32>
    %broadcast_in_dim3A_44 = vector.shape_cast %reduce_sum3A_43 : vector<128xf32> to vector<1x128xf32>
    %eq3A = arith.constant 0 : i32
    %eq3A_45 = arith.cmpi eq, %arg0, %eq3A : i32
    %convert_element_type3A_46 = arith.extui %eq3A_45 : i1 to i32
    %cond3A = arith.constant 0 : i32
    %cond3A_47 = arith.cmpi ne, %convert_element_type3A_46, %cond3A : i32
    scf.if %cond3A_47 {
      %swap3A_52 = arith.constant 0 : index
      %swap3A_53 = arith.constant 0 : index
      %swap3A_54 = vector.load %arg8[%swap3A_52, %swap3A_53] : memref<1x128xf32, #tpu.memory_space<vmem>>, vector<1x128xf32>
      tpu.vector_store %arg8[%swap3A_52, %swap3A_53], %broadcast_in_dim3A {strides = array<i32>} : memref<1x128xf32, #tpu.memory_space<vmem>>, vector<1x128xf32>,
      %swap3A_55 = arith.constant 0 : index
      %swap3A_56 = arith.constant 0 : index
      %swap3A_57 = vector.load %arg9[%swap3A_55, %swap3A_56] : memref<1x128xf32, #tpu.memory_space<vmem>>, vector<1x128xf32>
      tpu.vector_store %arg9[%swap3A_55, %swap3A_56], %broadcast_in_dim3A_44 {strides = array<i32>} : memref<1x128xf32, #tpu.memory_space<vmem>>, vector<1x128xf32>,
    } else {
    }
    %gt3A = arith.constant 0 : i32
    %gt3A_48 = arith.cmpi sgt, %arg0, %gt3A : i32
    %convert_element_type3A_49 = arith.extui %gt3A_48 : i1 to i32
    %cond3A_50 = arith.constant 0 : i32
    %cond3A_51 = arith.cmpi ne, %convert_element_type3A_49, %cond3A_50 : i32
    scf.if %cond3A_51 {
      %get3A_52 = arith.constant 0 : index
      %get3A_53 = arith.constant 0 : index
      %get3A_54 = vector.load %arg8[%get3A_52, %get3A_53] : memref<1x128xf32, #tpu.memory_space<vmem>>, vector<1x128xf32>
      %add3A_55 = arith.addf %get3A_54, %broadcast_in_dim3A : vector<1x128xf32>
      %swap3A_56 = arith.constant 0 : index
      %swap3A_57 = arith.constant 0 : index
      %swap3A_58 = vector.load %arg8[%swap3A_56, %swap3A_57] : memref<1x128xf32, #tpu.memory_space<vmem>>, vector<1x128xf32>
      tpu.vector_store %arg8[%swap3A_56, %swap3A_57], %add3A_55 {strides = array<i32>} : memref<1x128xf32, #tpu.memory_space<vmem>>, vector<1x128xf32>,
      %get3A_59 = arith.constant 0 : index
      %get3A_60 = arith.constant 0 : index
      %get3A_61 = vector.load %arg9[%get3A_59, %get3A_60] : memref<1x128xf32, #tpu.memory_space<vmem>>, vector<1x128xf32>
      %add3A_62 = arith.addf %get3A_61, %broadcast_in_dim3A_44 : vector<1x128xf32>
      %swap3A_63 = arith.constant 0 : index
      %swap3A_64 = arith.constant 0 : index
      %swap3A_65 = vector.load %arg9[%swap3A_63, %swap3A_64] : memref<1x128xf32, #tpu.memory_space<vmem>>, vector<1x128xf32>
      tpu.vector_store %arg9[%swap3A_63, %swap3A_64], %add3A_62 {strides = array<i32>} : memref<1x128xf32, #tpu.memory_space<vmem>>, vector<1x128xf32>,
    } else {
    }
    return
  }
  func.func @transform_0(%arg0: i32) -> (i32, i32) {
    %c0_i32 = arith.constant 0 : i32
    %c0_i32_0 = arith.constant 0 : i32
    return %arg0, %c0_i32 : i32, i32
  }
  func.func @transform_1(%arg0: i32) -> (i32, i32) {
    %c0_i32 = arith.constant 0 : i32
    %c0_i32_0 = arith.constant 0 : i32
    %c0_i32_1 = arith.constant 0 : i32
    return %c0_i32, %c0_i32_0 : i32, i32
  }
  func.func @transform_2(%arg0: i32) -> (i32, i32) {
    %c0_i32 = arith.constant 0 : i32
    %c0_i32_0 = arith.constant 0 : i32
    %c0_i32_1 = arith.constant 0 : i32
    return %c0_i32, %c0_i32_0 : i32, i32
  }
  func.func @transform_3(%arg0: i32) -> (i32, i32) {
    %c0_i32 = arith.constant 0 : i32
    %c0_i32_0 = arith.constant 0 : i32
    %c0_i32_1 = arith.constant 0 : i32
    return %c0_i32, %c0_i32_0 : i32, i32
  }
  func.func @transform_4(%arg0: i32) -> (i32, i32) {
    %c0_i32 = arith.constant 0 : i32
    %c0_i32_0 = arith.constant 0 : i32
    %c0_i32_1 = arith.constant 0 : i32
    return %c0_i32, %c0_i32_0 : i32, i32
  }
  func.func @transform_5(%arg0: i32) -> (i32, i32) {
    %c0_i32 = arith.constant 0 : i32
    %c0_i32_0 = arith.constant 0 : i32
    %c0_i32_1 = arith.constant 0 : i32
    return %c0_i32, %c0_i32_0 : i32, i32
  }
  func.func @transform_6(%arg0: i32) -> (i32, i32) {
    %c0_i32 = arith.constant 0 : i32
    %c0_i32_0 = arith.constant 0 : i32
    return %arg0, %c0_i32 : i32, i32
  }
  func.func @transform_7(%arg0: i32) -> (i32, i32) {
    %c0_i32 = arith.constant 0 : i32
    %c0_i32_0 = arith.constant 0 : i32
    %c0_i32_1 = arith.constant 0 : i32
    return %c0_i32, %c0_i32_0 : i32, i32
  }
  func.func @transform_8(%arg0: i32) -> (i32, i32) {
    %c0_i32 = arith.constant 0 : i32
    %c0_i32_0 = arith.constant 0 : i32
    %c0_i32_1 = arith.constant 0 : i32
    return %c0_i32, %c0_i32_0 : i32, i32
  }
}

module attributes {stable_mosaic.version = 14 : i64} {
  func.func @_final_body(%arg0: i32, %arg1: memref<1024x128xf32, #tpu.memory_space<vmem>>, %arg2: memref<1x128xf32, #tpu.memory_space<vmem>>, %arg3: memref<1x128xf32, #tpu.memory_space<vmem>>, %arg4: memref<1x128xf32, #tpu.memory_space<vmem>>, %arg5: memref<1x128xf32, #tpu.memory_space<vmem>>, %arg6: memref<128x13xf32, #tpu.memory_space<vmem>>, %arg7: memref<1x13xf32, #tpu.memory_space<vmem>>, %arg8: memref<1024x13xf32, #tpu.memory_space<vmem>>) attributes {dimension_semantics = [#tpu.dimension_semantics<arbitrary>], iteration_bounds = array<i64: 16>, scalar_prefetch = 0 : i64, scratch_operands = 0 : i64, tpu.core_type = #tpu.core_type<tc>, window_params = [{transform_indices = @transform_0, window_bounds = array<i64: 1024, 128>}, {pipeline_mode = #tpu.pipeline_mode<synchronous>, transform_indices = @transform_1, window_bounds = array<i64: 1, 128>}, {pipeline_mode = #tpu.pipeline_mode<synchronous>, transform_indices = @transform_2, window_bounds = array<i64: 1, 128>}, {pipeline_mode = #tpu.pipeline_mode<synchronous>, transform_indices = @transform_3, window_bounds = array<i64: 1, 128>}, {pipeline_mode = #tpu.pipeline_mode<synchronous>, transform_indices = @transform_4, window_bounds = array<i64: 1, 128>}, {pipeline_mode = #tpu.pipeline_mode<synchronous>, transform_indices = @transform_5, window_bounds = array<i64: 128, 13>}, {pipeline_mode = #tpu.pipeline_mode<synchronous>, transform_indices = @transform_6, window_bounds = array<i64: 1, 13>}, {transform_indices = @transform_7, window_bounds = array<i64: 1024, 13>}]} {
    %get3A = arith.constant 0 : index
    %get3A_0 = arith.constant 0 : index
    %get3A_1 = vector.load %arg2[%get3A, %get3A_0] : memref<1x128xf32, #tpu.memory_space<vmem>>, vector<1x128xf32>
    %div3A = arith.constant 1.638400e+04 : f32
    %div3A_2 = vector.broadcast %div3A : f32 to vector<1x128xf32>
    %div3A_3 = arith.divf %get3A_1, %div3A_2 : vector<1x128xf32>
    %get3A_4 = arith.constant 0 : index
    %get3A_5 = arith.constant 0 : index
    %get3A_6 = vector.load %arg3[%get3A_4, %get3A_5] : memref<1x128xf32, #tpu.memory_space<vmem>>, vector<1x128xf32>
    %div3A_7 = arith.constant 1.638400e+04 : f32
    %div3A_8 = vector.broadcast %div3A_7 : f32 to vector<1x128xf32>
    %div3A_9 = arith.divf %get3A_6, %div3A_8 : vector<1x128xf32>
    %mul3A = arith.mulf %div3A_3, %div3A_3 : vector<1x128xf32>
    %sub3A = arith.subf %div3A_9, %mul3A : vector<1x128xf32>
    %get3A_10 = arith.constant 0 : index
    %get3A_11 = arith.constant 0 : index
    %get3A_12 = vector.load %arg1[%get3A_10, %get3A_11] : memref<1024x128xf32, #tpu.memory_space<vmem>>, vector<1024x128xf32>
    %sub3A_13 = vector.broadcast %div3A_3 : vector<1x128xf32> to vector<1024x128xf32>
    %sub3A_14 = arith.subf %get3A_12, %sub3A_13 : vector<1024x128xf32>
    %add3A = arith.constant 9.99999974E-6 : f32
    %add3A_15 = vector.broadcast %add3A : f32 to vector<1x128xf32>
    %add3A_16 = arith.addf %sub3A, %add3A_15 : vector<1x128xf32>
    %rsqrt3A = math.rsqrt %add3A_16 : vector<1x128xf32>
    %mul3A_17 = vector.broadcast %rsqrt3A : vector<1x128xf32> to vector<1024x128xf32>
    %mul3A_18 = arith.mulf %sub3A_14, %mul3A_17 : vector<1024x128xf32>
    %get3A_19 = arith.constant 0 : index
    %get3A_20 = arith.constant 0 : index
    %get3A_21 = vector.load %arg4[%get3A_19, %get3A_20] : memref<1x128xf32, #tpu.memory_space<vmem>>, vector<1x128xf32>
    %mul3A_22 = vector.broadcast %get3A_21 : vector<1x128xf32> to vector<1024x128xf32>
    %mul3A_23 = arith.mulf %mul3A_18, %mul3A_22 : vector<1024x128xf32>
    %get3A_24 = arith.constant 0 : index
    %get3A_25 = arith.constant 0 : index
    %get3A_26 = vector.load %arg5[%get3A_24, %get3A_25] : memref<1x128xf32, #tpu.memory_space<vmem>>, vector<1x128xf32>
    %add3A_27 = vector.broadcast %get3A_26 : vector<1x128xf32> to vector<1024x128xf32>
    %add3A_28 = arith.addf %mul3A_23, %add3A_27 : vector<1024x128xf32>
    %jit3A = arith.constant 2.000000e-01 : f32
    %ge3A = arith.constant 0.000000e+00 : f32
    %ge3A_29 = vector.broadcast %ge3A : f32 to vector<1024x128xf32>
    %ge3A_30 = arith.cmpf oge, %add3A_28, %ge3A_29 : vector<1024x128xf32>
    %mul3A_31 = vector.broadcast %jit3A : f32 to vector<1024x128xf32>
    %mul3A_32 = arith.mulf %mul3A_31, %add3A_28 : vector<1024x128xf32>
    %select_n3A = arith.select %ge3A_30, %add3A_28, %mul3A_32 : vector<1024x128xi1>, vector<1024x128xf32>
    %get3A_33 = arith.constant 0 : index
    %get3A_34 = arith.constant 0 : index
    %get3A_35 = vector.load %arg6[%get3A_33, %get3A_34] : memref<128x13xf32, #tpu.memory_space<vmem>>, vector<128x13xf32>
    %convert_element_type3A = arith.truncf %select_n3A : vector<1024x128xf32> to vector<1024x128xbf16>
    %convert_element_type3A_36 = arith.truncf %get3A_35 : vector<128x13xf32> to vector<128x13xbf16>
    %dot_general3A = arith.constant dense<0.000000e+00> : vector<1024x13xf32>
    %dot_general3A_37 = tpu.matmul %convert_element_type3A, %convert_element_type3A_36, %dot_general3A {dimension_numbers = #tpu.dot_dimension_numbers<[1], [0], [0], [1], [0, 0, 1, 1], [], []>, transpose_lhs_hint = false} : vector<1024x128xbf16>, vector<128x13xbf16>, vector<1024x13xf32> -> vector<1024x13xf32>
    %get3A_38 = arith.constant 0 : index
    %get3A_39 = arith.constant 0 : index
    %get3A_40 = vector.load %arg7[%get3A_38, %get3A_39] : memref<1x13xf32, #tpu.memory_space<vmem>>, vector<1x13xf32>
    %add3A_41 = vector.broadcast %get3A_40 : vector<1x13xf32> to vector<1024x13xf32>
    %add3A_42 = arith.addf %dot_general3A_37, %add3A_41 : vector<1024x13xf32>
    %swap3A = arith.constant 0 : index
    %swap3A_43 = arith.constant 0 : index
    %swap3A_44 = vector.load %arg8[%swap3A, %swap3A_43] : memref<1024x13xf32, #tpu.memory_space<vmem>>, vector<1024x13xf32>
    tpu.vector_store %arg8[%swap3A, %swap3A_43], %add3A_42 {strides = array<i32>} : memref<1024x13xf32, #tpu.memory_space<vmem>>, vector<1024x13xf32>,
    return
  }
  func.func @transform_0(%arg0: i32) -> (i32, i32) {
    %c0_i32 = arith.constant 0 : i32
    %c0_i32_0 = arith.constant 0 : i32
    return %arg0, %c0_i32 : i32, i32
  }
  func.func @transform_1(%arg0: i32) -> (i32, i32) {
    %c0_i32 = arith.constant 0 : i32
    %c0_i32_0 = arith.constant 0 : i32
    %c0_i32_1 = arith.constant 0 : i32
    return %c0_i32, %c0_i32_0 : i32, i32
  }
  func.func @transform_2(%arg0: i32) -> (i32, i32) {
    %c0_i32 = arith.constant 0 : i32
    %c0_i32_0 = arith.constant 0 : i32
    %c0_i32_1 = arith.constant 0 : i32
    return %c0_i32, %c0_i32_0 : i32, i32
  }
  func.func @transform_3(%arg0: i32) -> (i32, i32) {
    %c0_i32 = arith.constant 0 : i32
    %c0_i32_0 = arith.constant 0 : i32
    %c0_i32_1 = arith.constant 0 : i32
    return %c0_i32, %c0_i32_0 : i32, i32
  }
  func.func @transform_4(%arg0: i32) -> (i32, i32) {
    %c0_i32 = arith.constant 0 : i32
    %c0_i32_0 = arith.constant 0 : i32
    %c0_i32_1 = arith.constant 0 : i32
    return %c0_i32, %c0_i32_0 : i32, i32
  }
  func.func @transform_5(%arg0: i32) -> (i32, i32) {
    %c0_i32 = arith.constant 0 : i32
    %c0_i32_0 = arith.constant 0 : i32
    %c0_i32_1 = arith.constant 0 : i32
    return %c0_i32, %c0_i32_0 : i32, i32
  }
  func.func @transform_6(%arg0: i32) -> (i32, i32) {
    %c0_i32 = arith.constant 0 : i32
    %c0_i32_0 = arith.constant 0 : i32
    %c0_i32_1 = arith.constant 0 : i32
    return %c0_i32, %c0_i32_0 : i32, i32
  }
  func.func @transform_7(%arg0: i32) -> (i32, i32) {
    %c0_i32 = arith.constant 0 : i32
    %c0_i32_0 = arith.constant 0 : i32
    return %arg0, %c0_i32 : i32, i32
  }
}

</mosaic_0001>

<sc_bundles>
// kernel: kernel.12.cloned.1.call-start
scs
__scs_entry_jumppad:
0x0: {  	(pc) =	sbr.rel $0x88, $3  }
0x1: {  	(tag) =	ssettag $0x0;
	lr =	simm.s32 $0x1  }
0x2: {  	[smem:$0x3F89] =	sst lr;
	_ =	strace $0xD0000000  }
0x3: {  	_ = 	snop  }
0x4: {  	_ = 	snop  }
0x5: {  	_ = 	snop  }
0x6: {  	_ = 	snop  }
0x7: {  	_ = 	snop  }
__scs_overlays_trampoline_lowered:
0x8: {  	[smem:$0x3F98] =	sst s0  }
0x9: {  	[smem:$0x3F99] =	sst s1  }
0xa: {  	[smem:$0x3F9A] =	sst s2  }
0xb: {  	[smem:$0x3F9B] =	sst s3  }
0xc: {  	[smem:$0x3F9C] =	sst s4  }
0xd: {  	[smem:$0x3F9D] =	sst s5  }
0xe: {  	[smem:$0x3F9E] =	sst s6  }
0xf: {  	[smem:$0x3F9F] =	sst s7  }
0x10: {  	[smem:$0x3FA0] =	sst s8  }
0x11: {  	[smem:$0x3FA1] =	sst s9;
	s0 =	simm.s32 @!p0 $0x0  }
0x12: {  	s1 =	sld [smem:$0x3F87];
	s0 =	simm.s32 @p0 $0x1  }
0x13: {  	[smem:$0x3FA2] =	sst s0;
	s0 =	simm.s32 @!p1 $0x0  }
0x14: {  	s2 =	sld [smem:$0x3F86];
	s0 =	simm.s32 @p1 $0x1  }
0x15: {  	[smem:$0x3FA3] =	sst s0;
	s0 =	simm.s32 @!p2 $0x0  }
0x16: {  	s3 =	sld [smem:$0x3FDB];
	s0 =	simm.s32 @p2 $0x1  }
0x17: {  	s4 =	simm.s32 $0x1BF5;
	[smem:$0x3FA5] =	sst s0  }
0x18: {  	s0 =	sld [smem:$0x3F88];
	_ =	swait.ge [sflag:s4], $0x0  }
0x19: {  	s7 =	sld [smem:$0x3F89]  }
0x1a: {  	s8 =	sadd.s32 $0xFFFFE003, lr  }
0x1b: {  	s9 =	sadd.s32 $0xFFFFFEF7, lr;
	s5 =	simm.s32 $0xFFFFFFFF;
	p2 =	slt.u32 s8, $0xFFFFF086  }
0x1c: {  	p1 =	slt.u32 s9, $0xF7A;
	s5 =	simm.s32 @!p2 $0x0  }
0x1d: {  	s5 =	simm.s32 @p1 $0x1;
	p0 =	seq.s32 s7, s2  }
0x1e: {  	s7 =	smul.u32 @!p0 $0xF7A, s2;
	p2 =	seq.s32 @!p0 s5, $0x0  }
0x1f: {  	s9 =	smul.u32 $0xF7A, s1;
	s8 =	simm.s32 @!p0 $0x1BF5;
	p2 =	por !p2, p0  }
0x20: {  	[sflag:s8] =	ssyncset.s32 @!p0 $0xFFFFF086;
	s6 =	sadd.s32 @!p0 s3, s7;
	s7 =	simm.s32 @!p0 $0x108  }
0x21: {  	s3 =	sadd.s32 s3, s9;
	s6 =	sadd.s32 @!p0 $0x88, s6;
	s7 =	simm.s32 @p2 $0x1082  }
0x22: {  	[simem:s7], [sflag:s8] =	dma.local @!p0 [hbm:s6], $0xF7A  }
0x23: {  	s9 =	sor.u32 $0xD0000000, s2;
	s6 =	simm.s32 $0x108;
	_ =	swait.ge @!p0 [sflag:s8], $0x0  }
0x24: {  	s3 =	sadd.s32 $0x88, s3;
	s6 =	simm.s32 @!p1 $0x1082;
	[sflag:s4] =	ssyncset.s32 $0xFFFFF086  }
0x25: {  	[simem:s6], [sflag:s4] =	dma.local [hbm:s3], $0xF7A  }
0x26: {  	[smem:$0x3F89] =	sst s1;
	(tag) =	ssettag s2;
	_ =	strace s9  }
0x27: {  	s1 =	sld [smem:$0x3F99]  }
0x28: {  	s2 =	sld [smem:$0x3F9A]  }
0x29: {  	s4 =	sld [smem:$0x3F9C]  }
0x2a: {  	p0 =	seq.s32 s5, $0x0;
	s5 =	sld [smem:$0x3F9D]  }
0x2b: {  	s6 =	sld [smem:$0x3F9E]  }
0x2c: {  	s7 =	sld [smem:$0x3F9F]  }
0x2d: {  	s3 =	simm.s32 $0x108;
	s8 =	sld [smem:$0x3FA0]  }
0x2e: {  	s3 =	simm.s32 @!p0 $0x1082;
	s9 =	sld [smem:$0x3FA1]  }
0x2f: {  	lr =	sadd.s32 s0, s3;
	s0 =	sld [smem:$0x3F98]  }
0x30: {  	s3 =	sld [smem:$0x3F9B]  }
0x31: {  	[smem:$0x3FA4] =	sst s10  }
0x32: {  	s10 =	sld [smem:$0x3FA2];
	_ =	sdelay $0x3  }
0x33: {  	p0 =	seq.s32 s10, $0x1;
	s10 =	sld [smem:$0x3FA4];
	_ =	sdelay $0x3  }
0x34: {  	[smem:$0x3FA4] =	sst s10  }
0x35: {  	s10 =	sld [smem:$0x3FA3];
	_ =	sdelay $0x3  }
0x36: {  	p1 =	seq.s32 s10, $0x1;
	s10 =	sld [smem:$0x3FA4];
	_ =	sdelay $0x3  }
0x37: {  	[smem:$0x3FA4] =	sst s10  }
0x38: {  	s10 =	sld [smem:$0x3FA5]  }
0x39: {  	_ = 	snop;
	(pc) =	sbr.ind lr, $3  }
0x3a: {  	_ = 	snop  }
0x3b: {  	_ = 	snop  }
0x3c: {  	p2 =	seq.s32 s10, $0x1;
	s10 =	sld [smem:$0x3FA4]  }
0x3d: {  	_ =	shalt  }
0x3e: {  	_ =	shalt  }
0x3f: {  	_ =	shalt  }
0x40: {  	_ =	shalt  }
0x41: {  	_ =	shalt  }
0x42: {  	_ =	shalt  }
0x43: {  	_ =	shalt  }
0x44: {  	_ =	shalt  }
0x45: {  	_ =	shalt  }
0x46: {  	_ =	shalt  }
0x47: {  	_ =	shalt  }
0x48: {  	_ =	shalt  }
0x49: {  	_ =	shalt  }
0x4a: {  	_ =	shalt  }
0x4b: {  	_ =	shalt  }
0x4c: {  	_ =	shalt  }
0x4d: {  	_ =	shalt  }
0x4e: {  	_ =	shalt  }
0x4f: {  	_ =	shalt  }
0x50: {  	_ =	shalt  }
0x51: {  	_ =	shalt  }
0x52: {  	_ =	shalt  }
0x53: {  	_ =	shalt  }
0x54: {  	_ =	shalt  }
0x55: {  	_ =	shalt  }
0x56: {  	_ =	shalt  }
0x57: {  	_ =	shalt  }
0x58: {  	_ =	shalt  }
0x59: {  	_ =	shalt  }
0x5a: {  	_ =	shalt  }
0x5b: {  	_ =	shalt  }
0x5c: {  	_ =	shalt  }
0x5d: {  	_ =	shalt  }
0x5e: {  	_ =	shalt  }
0x5f: {  	_ =	shalt  }
0x60: {  	_ =	shalt  }
0x61: {  	_ =	shalt  }
0x62: {  	_ =	shalt  }
0x63: {  	_ =	shalt  }
0x64: {  	_ =	shalt  }
0x65: {  	_ =	shalt  }
0x66: {  	_ =	shalt  }
0x67: {  	_ =	shalt  }
0x68: {  	_ =	shalt  }
0x69: {  	_ =	shalt  }
0x6a: {  	_ =	shalt  }
0x6b: {  	_ =	shalt  }
0x6c: {  	_ =	shalt  }
0x6d: {  	_ =	shalt  }
0x6e: {  	_ =	shalt  }
0x6f: {  	_ =	shalt  }
0x70: {  	_ =	shalt  }
0x71: {  	_ =	shalt  }
0x72: {  	_ =	shalt  }
0x73: {  	_ =	shalt  }
0x74: {  	_ =	shalt  }
0x75: {  	_ =	shalt  }
0x76: {  	_ =	shalt  }
0x77: {  	_ =	shalt  }
0x78: {  	_ =	shalt  }
0x79: {  	_ =	shalt  }
0x7a: {  	_ =	shalt  }
0x7b: {  	_ =	shalt  }
0x7c: {  	_ =	shalt  }
0x7d: {  	_ =	shalt  }
0x7e: {  	_ =	shalt  }
0x7f: {  	_ =	shalt  }
0x80: {  	_ =	shalt  }
0x81: {  	_ =	shalt  }
0x82: {  	_ =	shalt  }
0x83: {  	_ =	shalt  }
0x84: {  	_ =	shalt  }
0x85: {  	_ =	shalt  }
0x86: {  	_ =	shalt  }
0x87: {  	_ =	shalt  }
.Lfunc_end0:
.L_simem_size_0:
called_computation.1_lowered:
.L_overlay_start_0:
0x88: {  	s2 =	sld [smem:$0x3FD9]  }
0x89: {  	s3 =	sld [smem:$0x3FFE];
	_ =	sdelay $0x1  }
0x8a: {  	s1 =	srdreg.scid  }
0x8b: {  	s0 =	sand.u32 $0x1, s1  }
0x8c: {  	s16 =	sshll.u32 s0, $0xA;
	s2 =	sadd.s32 s3, s2  }
0x8d: {  	s2 =	sadd.s32 s2, s16  }
0x8e: {  	[smem:$0x3FB0] =	sst s2  }
0x8f: {  	_ = 	snop  }
0x90: {  	(tm) =	ssettm $0x1  }
0x91: {  	s17 =	sld [smem:$0x3FFB];
	_ =	sdelay $0x3  }
0x92: {  	_ =	strace s17  }
0x93: {  	s2 =	sld [smem:$0x3FFC];
	_ =	sdelay $0x3  }
0x94: {  	_ =	strace s2  }
0x95: {  	s2 =	sld [smem:$0x3FFD];
	_ =	sdelay $0x3  }
0x96: {  	_ =	strace s2  }
0x97: {  	_ =	strace $0x8FFFFFFF  }
0x98: {  	s18 =	sld [smem:$0x3FDB];
	_ =	sdelay $0x1  }
0x99: {  	s19 =	simm.s32 $_scs_section_size  }
0x9a: {  	s4 =	simm.s32 $_size__tile_overlayer_lowered;
	s5 =	simm.s32 $_tile_overlayer_lowered  }
0x9b: {  	s22 =	simm.s32 $0x1BFF;
	s21 =	sshll.u32 s5, $0x1;
	s2 =	sadd.s32 s19, s18  }
0x9c: {  	s6 =	simm.s32 $0x0;
	s20 =	sshll.u32 s4, $0x1;
	s4 =	sadd.s32 s21, s2  }
0x9d: {  	[timem:s6], [sflag:s22] =	dma.local [hbm:s4], s20  }
0x9e: {  	_ =	swait.ge [sflag:s22], s20  }
0x9f: {  	s3 =	ssub.s32 $0x0, s20;
	[sflag:s22] =	ssyncset.done $0x0  }
0xa0: {  	[sflag:s22] =	ssyncadd.s32 s3;
	_ =	sdelay $0x1  }
0xa1: {  	s23 =	simm.s32 $0x1B8B  }
0xa2: {  	_ =	swait.ge [sflag:s23], $0x1  }
0xa3: {  	[sflag:s23] =	ssyncset.done $0x0  }
0xa4: {  	s25 =	simm.s32 $0x1B8E;
	s24 =	sld [smem:$0x3FFE];
	[sflag:s23] =	ssyncadd.s32 $0xFFFFFFFF  }
0xa5: {  	s26 =	simm.s32 $execute0_lowered;
	[smem:$0x3FD2] =	sst s25  }
0xa6: {  	s4 =	sshll.u32 s26, $0x1;
	_ =	strace $0x80000049;
	[dreg:$0x1] =	wrdreg $0xFFFFFFFF  }
0xa7: {  	s28 =	simm.s32 $_size_execute0_lowered;
	s2 =	sadd.s32 s2, s4;
	[dreg:$0x0] =	wrdreg $0x0  }
0xa8: {  	s4 =	sshll.u32 s28, $0x1;
	[dreg:$0x2] =	wrdreg s2  }
0xa9: {  	[dreg:$0x3] =	wrdreg s4  }
0xaa: {  	[dreg:$0x4] =	wrdreg $0xC0  }
0xab: {  	_ =	task [dreg:s6], $0x5FFFF  }
0xac: {  	[dreg:$0x1] =	wrdreg $0xFFFFFFFF  }
0xad: {  	[dreg:$0x0] =	wrdreg $0x60  }
0xae: {  	[dreg:$0x2] =	wrdreg s24  }
0xaf: {  	[dreg:$0x3] =	wrdreg $0x9  }
0xb0: {  	_ =	task.clear_ibuf [dreg:s6], $0x4FFFF;
	_ =	strace $0x90000049  }
0xb1: {  	s29 =	simm.s32 $0x9;
	_ =	strace $0x8000004B  }
0xb2: {  	_ =	swait.ge [sflag:s29], $0x1  }
0xb3: {  	[sflag:s29] =	ssyncadd.s32 $0xFFFFFFFF  }
0xb4: {  	_ =	strace $0x9000004B  }
0xb5: {  	_ =	sfence  }
0xb6: {  	s30 =	sld [smem:$0x0];
	_ =	sdelay $0x2  }
0xb7: {  	s31 =	sshll.u32 s1, $0xD;
	s1 =	sshrl.u32 s1, $0x2  }
0xb8: {  	s3 =	sand.u32 $0x4000, s31;
	s1 =	sadd.s32 s1, s30  }
0xb9: {  	s0 =	sor.u32 s3, s0;
	s1 =	sshll.u32 s1, $0x11  }
0xba: {  	s0 =	sor.u32 s1, s0  }
0xbb: {  	s0 =	sadd.s32 $0x8F2B, s0  }
0xbc: {  	[sflag:s0] =	ssyncadd.remote.s32 $0x1  }
0xbd: {  	_ =	sfence.sel $0xFFFF  }
0xbe: {  	[dreg:$0x0] =	wrdreg $0xFFFFFFFF;
	(pc) =	sbr.abs _section_cstart, $3  }
0xbf: {  	[dreg:$0x1] =	wrdreg $0xFFFFFFFF  }
0xc0: {  	_ =	task.clear_ibuf [dreg:s6], $0x2FFFF;
	_ =	strace $0x9FFFFFFF  }
0xc1: {  	(tm) =	ssettm $0x7FFFFFFF  }
tec
execute0_lowered:
.L_overlay_start_1:
0x0: {  	(tag) =	ssettag $0x1  }
0x1: {  	s1 =	srdreg.scid;
	s0 =	stileid.u32  }
0x2: {  	s4 =	rddreg [dreg:$0x0];
	s2 =	simm.s32 $0x0;
	s10 =	simm.s32 $0x6800  }
0x3: {  	s11 =	simm.s32 $0xA800;
	s12 =	simm.s32 $0xE800;
	s13 =	simm.s32 $0x12800  }
0x4: {  	s14 =	simm.s32 $0x1;
	s3 =	sand.u32 $0x1, s1;
	s1 =	rddreg [dreg:$0x1]  }
0x5: {  	s15 =	simm.s32 $0x0;
	s30 =	sshll.u32 s0, $0x1;
	[smem:$0x7FF] =	sst s2  }
0x6: {  	s6 =	smul.u32 $0x50000, s0;
	s5 =	sor.u32 s3, s30;
	_ =	strace $0x8000004A  }
0x7: {  	s7 =	ssub.s32 $0x2, s3;
	s8 =	smul.u32 $0x28000, s3;
	s3 =	sadd.s32 $0xC5600, s4  }
0x8: {  	s5 =	smul.u32 $0x500, s5;
	s6 =	sadd.s32 s6, s4;
	s9 =	sshrl.u32 s7, $0x1  }
0x9: {  	s31 =	ssub.s32 s7, s9;
	s6 =	sadd.s32 s8, s6;
	s7 =	simm.s32 $0x2  }
0xa: {  	s8 =	simm.s32 $0x80;
	s9 =	simm.s32 $0x2800;
	s4 =	sadd.s32 s5, s4  }
0xb: {  	s5 =	smax.u32 s31, $0x1;
	s6 =	sadd.s32 $0x105600, s6;
	s4 =	sadd.s32 $0x5600, s4  }
.LBB2_1:
0xc: {  	[tilespmem:s2], [sflag:$0x2] =	stream.linear.gather [hbm4b:s4+s2], $0x2800, $0x38;
	[tilespmem:$0x16800] =	vst v63  }
0xd: {  	_ =	swait.ge [sflag:s7], $0x2800  }
0xe: {  	[sflag:s7] =	ssyncset.done $0x0  }
0xf: {  	s16 =	simm.s32 $0x0;
	[sflag:s7] =	ssyncadd.s32 $0xFFFFD800  }
0x10: {  	[tilespmem:s9], [sflag:$0x1] =	stream.indirect.gather [hbm4b:s3+s8], $0x80, s16, s8, $0xb8;
	[tilespmem:$0x16800] =	vst v63  }
0x11: {  	s28 =	simm.s32 $0x80  }
0x12: {  	[tilespmem:s10], [sflag:$0x1] =	stream.indirect.gather [hbm4b:s3+s8], $0x80, s28, s8, $0xb8;
	[tilespmem:$0x16800] =	vst v63  }
0x13: {  	s29 =	simm.s32 $0x100  }
0x14: {  	[tilespmem:s11], [sflag:$0x1] =	stream.indirect.gather [hbm4b:s3+s8], $0x80, s29, s8, $0xb8;
	[tilespmem:$0x16800] =	vst v63  }
0x15: {  	s30 =	simm.s32 $0x180  }
0x16: {  	[tilespmem:s12], [sflag:$0x1] =	stream.indirect.gather [hbm4b:s3+s8], $0x80, s30, s8, $0xb8;
	[tilespmem:$0x16800] =	vst v63  }
0x17: {  	s31 =	simm.s32 $0x200  }
0x18: {  	[tilespmem:s13], [sflag:$0x1] =	stream.indirect.gather [hbm4b:s3+s8], $0x80, s31, s8, $0xb8;
	[tilespmem:$0x16800] =	vst v63  }
0x19: {  	_ =	swait.ge [sflag:s14], $0x4000  }
0x1a: {  	[sflag:s14] =	ssyncset.done $0x0  }
0x1b: {  	[sflag:s14] =	ssyncadd.s32 $0xFFFFC000  }
0x1c: {  	_ =	swait.ge [sflag:s14], $0x4000  }
0x1d: {  	[sflag:s14] =	ssyncset.done $0x0  }
0x1e: {  	[sflag:s14] =	ssyncadd.s32 $0xFFFFC000  }
0x1f: {  	_ =	swait.ge [sflag:s14], $0x4000  }
0x20: {  	[sflag:s14] =	ssyncset.done $0x0  }
0x21: {  	[sflag:s14] =	ssyncadd.s32 $0xFFFFC000  }
0x22: {  	_ =	swait.ge [sflag:s14], $0x4000  }
0x23: {  	[sflag:s14] =	ssyncset.done $0x0  }
0x24: {  	[sflag:s14] =	ssyncadd.s32 $0xFFFFC000  }
0x25: {  	_ =	swait.ge [sflag:s14], $0x4000  }
0x26: {  	[sflag:s14] =	ssyncset.done $0x0  }
0x27: {  	[sflag:s14] =	ssyncadd.s32 $0xFFFFC000  }
0x28: {  	[hbm4b:s6+s2] =	stream.linear.scatter [tilespmem:s9], [sflag:$0x2], $0x14000, $0x38;
	[tilespmem:$0x16800] =	vst v63  }
0x29: {  	s17 =	simm.s32 $0xA00;
	_ =	swait.ge [sflag:s7], $0x14000  }
0x2a: {  	s18 =	simm.s32 $0x1400;
	s16 =	sadd.s32 $0x2800, s6;
	[sflag:s7] =	ssyncset.done $0x0  }
.LBB2_2:
0x2b: {  	s19 =	sshra.s32 s17, $0x2  }
0x2c: {  	[sflag:s7] =	ssyncadd.s32 $0xFFFEC000;
	s17 =	smov.u32 s18;
	s20 =	sadd.s32 $0xA00, s18  }
0x2d: {  	[tilespmem:s9], [sflag:$0x1] =	stream.indirect.gather [hbm4b:s3+s8], $0x80, s19, s8, $0xb8;
	[tilespmem:$0x16800] =	vst v63  }
0x2e: {  	p0 =	sne.s32 s18, $0x9600;
	s18 =	sadd.s32 $0x80, s19  }
0x2f: {  	[tilespmem:s10], [sflag:$0x1] =	stream.indirect.gather [hbm4b:s3+s8], $0x80, s18, s8, $0xb8;
	[tilespmem:$0x16800] =	vst v63  }
0x30: {  	s18 =	sadd.s32 $0x100, s19  }
0x31: {  	[tilespmem:s11], [sflag:$0x1] =	stream.indirect.gather [hbm4b:s3+s8], $0x80, s18, s8, $0xb8;
	[tilespmem:$0x16800] =	vst v63  }
0x32: {  	s18 =	sadd.s32 $0x180, s19  }
0x33: {  	[tilespmem:s12], [sflag:$0x1] =	stream.indirect.gather [hbm4b:s3+s8], $0x80, s18, s8, $0xb8;
	[tilespmem:$0x16800] =	vst v63  }
0x34: {  	s18 =	sadd.s32 $0x200, s19  }
0x35: {  	[tilespmem:s13], [sflag:$0x1] =	stream.indirect.gather [hbm4b:s3+s8], $0x80, s18, s8, $0xb8;
	[tilespmem:$0x16800] =	vst v63  }
0x36: {  	_ =	swait.ge [sflag:s14], $0x4000  }
0x37: {  	[sflag:s14] =	ssyncset.done $0x0  }
0x38: {  	[sflag:s14] =	ssyncadd.s32 $0xFFFFC000  }
0x39: {  	_ =	swait.ge [sflag:s14], $0x4000  }
0x3a: {  	[sflag:s14] =	ssyncset.done $0x0  }
0x3b: {  	[sflag:s14] =	ssyncadd.s32 $0xFFFFC000  }
0x3c: {  	_ =	swait.ge [sflag:s14], $0x4000  }
0x3d: {  	[sflag:s14] =	ssyncset.done $0x0  }
0x3e: {  	[sflag:s14] =	ssyncadd.s32 $0xFFFFC000  }
0x3f: {  	_ =	swait.ge [sflag:s14], $0x4000  }
0x40: {  	[sflag:s14] =	ssyncset.done $0x0  }
0x41: {  	[sflag:s14] =	ssyncadd.s32 $0xFFFFC000  }
0x42: {  	_ =	swait.ge [sflag:s14], $0x4000  }
.Ltmp0:
0x43: {  	[sflag:s14] =	ssyncset.done $0x0;
	(pc) =	sbr.rel @p0 .LBB2_2-.Ltmp0, $4  }
0x44: {  	[sflag:s14] =	ssyncadd.s32 $0xFFFFC000  }
0x45: {  	[hbm4b:s16+s2] =	stream.linear.scatter [tilespmem:s9], [sflag:$0x2], $0x14000, $0x38;
	[tilespmem:$0x16800] =	vst v63  }
0x46: {  	_ =	swait.ge [sflag:s7], $0x14000  }
0x47: {  	s18 =	smov.u32 s20;
	s16 =	sadd.s32 $0x2800, s16;
	[sflag:s7] =	ssyncset.done $0x0  }
0x48: {  	s17 =	sshra.s32 s17, $0x2;
	[sflag:s7] =	ssyncadd.s32 $0xFFFEC000  }
0x49: {  	[tilespmem:s9], [sflag:$0x1] =	stream.indirect.gather [hbm4b:s3+s8], $0x80, s17, s8, $0xb8;
	[tilespmem:$0x16800] =	vst v63  }
0x4a: {  	s18 =	sadd.s32 $0x80, s17  }
0x4b: {  	[tilespmem:s10], [sflag:$0x1] =	stream.indirect.gather [hbm4b:s3+s8], $0x80, s18, s8, $0xb8;
	[tilespmem:$0x16800] =	vst v63  }
0x4c: {  	s30 =	sadd.s32 $0x100, s17  }
0x4d: {  	[tilespmem:s11], [sflag:$0x1] =	stream.indirect.gather [hbm4b:s3+s8], $0x80, s30, s8, $0xb8;
	[tilespmem:$0x16800] =	vst v63  }
0x4e: {  	s31 =	sadd.s32 $0x180, s17  }
0x4f: {  	[tilespmem:s12], [sflag:$0x1] =	stream.indirect.gather [hbm4b:s3+s8], $0x80, s31, s8, $0xb8;
	[tilespmem:$0x16800] =	vst v63  }
0x50: {  	s17 =	sadd.s32 $0x200, s17  }
0x51: {  	[tilespmem:s13], [sflag:$0x1] =	stream.indirect.gather [hbm4b:s3+s8], $0x80, s17, s8, $0xb8;
	[tilespmem:$0x16800] =	vst v63  }
0x52: {  	_ =	swait.ge [sflag:s14], $0x4000  }
0x53: {  	[sflag:s14] =	ssyncset.done $0x0  }
0x54: {  	[sflag:s14] =	ssyncadd.s32 $0xFFFFC000  }
0x55: {  	_ =	swait.ge [sflag:s14], $0x4000  }
0x56: {  	[sflag:s14] =	ssyncset.done $0x0  }
0x57: {  	[sflag:s14] =	ssyncadd.s32 $0xFFFFC000  }
0x58: {  	_ =	swait.ge [sflag:s14], $0x4000  }
0x59: {  	[sflag:s14] =	ssyncset.done $0x0  }
0x5a: {  	[sflag:s14] =	ssyncadd.s32 $0xFFFFC000  }
0x5b: {  	_ =	swait.ge [sflag:s14], $0x4000  }
0x5c: {  	[sflag:s14] =	ssyncset.done $0x0  }
0x5d: {  	[sflag:s14] =	ssyncadd.s32 $0xFFFFC000  }
0x5e: {  	s15 =	sadd.s32 $0x1, s15;
	_ =	swait.ge [sflag:s14], $0x4000  }
0x5f: {  	p0 =	sne.s32 s15, s5;
	[sflag:s14] =	ssyncset.done $0x0  }
.Ltmp1:
0x60: {  	[sflag:s14] =	ssyncadd.s32 $0xFFFFC000;
	(pc) =	sbr.rel @p0 .LBB2_1-.Ltmp1, $4  }
0x61: {  	[hbm4b:s16+s2] =	stream.linear.scatter [tilespmem:s9], [sflag:$0x2], $0x14000, $0x38;
	[tilespmem:$0x16800] =	vst v63  }
0x62: {  	_ =	swait.ge [sflag:s7], $0x14000  }
0x63: {  	[sflag:s7] =	ssyncset.done $0x0  }
0x64: {  	[sflag:s7] =	ssyncadd.s32 $0xFFFEC000  }
0x65: {  	_ =	sfence.sel $0x180000  }
0x66: {  	[bflag:$0x0] =	sbarrier.arrive $0xFFFF  }
0x67: {  	p0 =	sne.s32 s0, $0x0;
	_ =	strace $0x9000004A  }
0x68: {  	s0 =	sadd.s32 @!p0 $0x100000, s1;
	[bflag:$0x2] =	sbarrier.arrive $0xFFFF  }
0x69: {  	[sflag:s0] =	ssyncadd.tile.s32 @!p0 $0x1;
	_ =	shalt  }
.Lfunc_end2:
_tile_overlayer_lowered:
.L_overlay_start_2:
0x6a: {  	(tag) =	ssettag $0x2  }
0x6b: {  	s0 =	rddreg [dreg:$0x0];
	s2 =	stileid.u32  }
0x6c: {  	s1 =	rddreg [dreg:$0x1];
	p0 =	sne.s32 s2, $0x0  }
0x6d: {  	s3 =	rddreg [dreg:$0x2];
	[bflag:$0x3] =	sbarrier.arrive $0xFFFF;
	s2 =	simm.s32 @!p0 $0x1C02  }
0x6e: {  	[timem:s3], [sflag:s2] =	dma.local @!p0 [hbm:s0], s1  }
0x6f: {  	s0 =	simm.s32 @!p0 $0x2  }
0x70: {  	_ =	swait.ge @!p0 [sflag:s0], s1  }
0x71: {  	s1 =	ssub.s32 @!p0 $0x0, s1;
	[sflag:s0] =	ssyncset.done @!p0 $0x0  }
0x72: {  	[sflag:s0] =	ssyncadd.s32 @!p0 s1  }
0x73: {  	[bflag:$0x3] =	sbarrier.arrive $0xFFFF  }
0x74: {  	_ =	shalt  }

// kernel: sparse-core-data-format-call.cloned.1.call-start
scs
called_computation_lowered:
.L_overlay_start_0:
0x0: {  	s1 =	sld [smem:$0x3FD9]  }
0x1: {  	s2 =	sld [smem:$0x3FFE];
	_ =	sdelay $0x1  }
0x2: {  	s3 =	srdreg.scid  }
0x3: {  	s0 =	sand.u32 $0x1, s3  }
0x4: {  	s17 =	sshll.u32 s0, $0xA;
	s1 =	sadd.s32 s2, s1  }
0x5: {  	s1 =	sadd.s32 s1, s17  }
0x6: {  	[smem:$0x3FB0] =	sst s1  }
0x7: {  	_ = 	snop  }
0x8: {  	(tm) =	ssettm $0x1  }
0x9: {  	s18 =	sld [smem:$0x3FFB];
	_ =	sdelay $0x3  }
0xa: {  	_ =	strace s18  }
0xb: {  	s1 =	sld [smem:$0x3FFC];
	_ =	sdelay $0x3  }
0xc: {  	_ =	strace s1  }
0xd: {  	s1 =	sld [smem:$0x3FFD];
	_ =	sdelay $0x3  }
0xe: {  	_ =	strace s1  }
0xf: {  	_ =	strace $0x8FFFFFFF  }
0x10: {  	s19 =	sld [smem:$0x3FDB];
	_ =	sdelay $0x1  }
0x11: {  	s20 =	simm.s32 $_scs_section_size  }
0x12: {  	s4 =	simm.s32 $_size__tile_overlayer_lowered;
	s5 =	simm.s32 $_tile_overlayer_lowered  }
0x13: {  	s23 =	simm.s32 $0x1BFF;
	s22 =	sshll.u32 s5, $0x1;
	s1 =	sadd.s32 s20, s19  }
0x14: {  	s6 =	simm.s32 $0x0;
	s21 =	sshll.u32 s4, $0x1;
	s4 =	sadd.s32 s22, s1  }
0x15: {  	[timem:s6], [sflag:s23] =	dma.local [hbm:s4], s21  }
0x16: {  	_ =	swait.ge [sflag:s23], s21  }
0x17: {  	s2 =	ssub.s32 $0x0, s21;
	[sflag:s23] =	ssyncset.done $0x0  }
0x18: {  	[sflag:s23] =	ssyncadd.s32 s2;
	_ =	sdelay $0x1  }
0x19: {  	s24 =	simm.s32 $0x1B8B  }
0x1a: {  	_ =	swait.ge [sflag:s24], $0x1  }
0x1b: {  	[sflag:s24] =	ssyncset.done $0x0  }
0x1c: {  	s26 =	simm.s32 $0x1B8E;
	s25 =	sld [smem:$0x3FFE];
	[sflag:s24] =	ssyncadd.s32 $0xFFFFFFFF  }
0x1d: {  	s27 =	simm.s32 $execute0_lowered;
	[smem:$0x3FD2] =	sst s26  }
0x1e: {  	s4 =	sshll.u32 s27, $0x1;
	_ =	strace $0x80000046;
	[dreg:$0x1] =	wrdreg $0xFFFFFFFF  }
0x1f: {  	s28 =	simm.s32 $_size_execute0_lowered;
	s1 =	sadd.s32 s1, s4;
	[dreg:$0x0] =	wrdreg $0x0  }
0x20: {  	s4 =	sshll.u32 s28, $0x1;
	[dreg:$0x2] =	wrdreg s1  }
0x21: {  	[dreg:$0x3] =	wrdreg s4  }
0x22: {  	[dreg:$0x4] =	wrdreg $0xC0  }
0x23: {  	_ =	task [dreg:s6], $0x5FFFF  }
0x24: {  	[dreg:$0x1] =	wrdreg $0xFFFFFFFF  }
0x25: {  	[dreg:$0x0] =	wrdreg $0x60  }
0x26: {  	[dreg:$0x2] =	wrdreg s25  }
0x27: {  	[dreg:$0x3] =	wrdreg $0x9  }
0x28: {  	_ =	task.clear_ibuf [dreg:s6], $0x4FFFF;
	_ =	strace $0x90000046  }
0x29: {  	s29 =	simm.s32 $0x9;
	_ =	strace $0x80000048  }
0x2a: {  	_ =	swait.ge [sflag:s29], $0x1  }
0x2b: {  	[sflag:s29] =	ssyncadd.s32 $0xFFFFFFFF  }
0x2c: {  	_ =	strace $0x90000048  }
0x2d: {  	_ =	sfence  }
0x2e: {  	s30 =	sld [smem:$0x0];
	_ =	sdelay $0x2  }
0x2f: {  	s31 =	sshll.u32 s3, $0xD;
	s3 =	sshrl.u32 s3, $0x2  }
0x30: {  	s2 =	sand.u32 $0x4000, s31;
	s1 =	sadd.s32 s3, s30  }
0x31: {  	s0 =	sor.u32 s2, s0;
	s1 =	sshll.u32 s1, $0x11  }
0x32: {  	s0 =	sor.u32 s1, s0  }
0x33: {  	s0 =	sadd.s32 $0x8F2B, s0  }
0x34: {  	[sflag:s0] =	ssyncadd.remote.s32 $0x1  }
0x35: {  	_ =	sfence.sel $0xFFFF  }
0x36: {  	[dreg:$0x0] =	wrdreg $0xFFFFFFFF;
	(pc) =	sbr.abs _section_cstart, $3  }
0x37: {  	[dreg:$0x1] =	wrdreg $0xFFFFFFFF  }
0x38: {  	_ =	task.clear_ibuf [dreg:s6], $0x2FFFF;
	_ =	strace $0x9FFFFFFF  }
0x39: {  	(tm) =	ssettm $0x7FFFFFFF  }
tec
execute0_lowered:
.L_overlay_start_1:
0x0: {  	(tag) =	ssettag $0x1  }
0x1: {  	s0 =	stileid.u32;
	s1 =	srdreg.scid  }
0x2: {  	s4 =	rddreg [dreg:$0x0];
	s2 =	sshll.u32 s0, $0x5;
	s1 =	sshll.u32 s1, $0x9  }
0x3: {  	s5 =	simm.s32 $0x1;
	s8 =	simm.s32 $0x2;
	s1 =	sor.u32 s2, s1  }
0x4: {  	s14 =	simm.s32 $0x0;
	s9 =	simm.s32 $0x8000;
	s2 =	sand.u32 $0x380, s1  }
0x5: {  	s15 =	simm.s32 $0x0;
	s16 =	simm.s32 $0x0;
	s3 =	ssub.s32 $0x1000, s2  }
0x6: {  	s10 =	simm.s32 $0x0;
	s7 =	sand.u32 $0x3, s0;
	s31 =	sand.u32 $0x380, s3  }
0x7: {  	s13 =	simm.s32 $0x0;
	s12 =	smov.u32 s7;
	p0 =	sne.s32 s31, $0x0  }
.Ltmp0:
0x8: {  	s6 =	sshrl.u32 s3, $0xA;
	s5 =	simm.s32 @!p0 $0x0;
	(pc) =	sbr.rel .LBB1_1-.Ltmp0, $4  }
0x9: {  	s1 =	rddreg [dreg:$0x1];
	_ =	strace $0x80000047;
	s6 =	sadd.s32 s5, s6  }
0xa: {  	s11 =	smov.u32 s2;
	s5 =	simm.s32 $0x1;
	s6 =	smul.u32 $0x14, s6  }
0xb: {  	s3 =	sadd.s32 $0x545600, s4;
	s4 =	sadd.s32 $0x45600, s4;
	[sflag:s5] =	ssyncpa.u1 $0x0  }
0xc: {  	p0 =	por $0x0, $0x0;
	[sflag:s8] =	ssyncpa.u1 $0x0;
	s8 =	sor.u32 $0x1, s6  }
.LBB1_4:
0xd: {  	s16 =	smul.u32 $0xA0000, s16  }
0xe: {  	s19 =	sshll.u32 s15, $0x3;
	s20 =	sand.u32 $0x78, s15;
	s30 =	sand.u32 $0x7E00, s15  }
0xf: {  	s14 =	sshll.u32 s14, $0xF;
	s19 =	sand.u32 $0xC00, s19;
	s16 =	sadd.s32 s4, s16  }
0x10: {  	[tilespmem:s18+$0x810 ss:$0x81] =	vst.msk $0xffff, v2;
	s31 =	sand.u32 $0x7, s15;
	s19 =	sor.u32 s20, s19;
	s16 =	sadd.s32 s30, s16  }
0x11: {  	[tilespmem:s18+$0x1020 ss:$0x81] =	vst.msk $0xffff, v0;
	s15 =	sshll.u32 s31, $0x12;
	s19 =	sshrl.u32 s19, $0x3;
	s14 =	sadd.s32 s14, s16  }
0x12: {  	[tilespmem:s18+$0x0 ss:$0x81] =	vst.msk $0xffff, v1;
	s15 =	sor.u32 $0x400, s15;
	s14 =	sadd.s32 s19, s14  }
0x13: {  	[hbm4b:s14+s15] =	stream.strided.scatter [tilespmem:s17], [sflag:$0x2], $0x2000, s9, s15, $0x20;
	[tilespmem:$0x8080] =	vst v63  }
.LBB1_5:
0x14: {  	s17 =	sadd.s32 $0x1, s10  }
0x15: {  	s14 =	sadd.s32 $0x400, s11;
	s18 =	smov.u32 s11;
	p2 =	sgt.s32 s17, $0x13  }
0x16: {  	s18 =	smov.u32 @p2 s14  }
0x17: {  	s20 =	smov.u32 s12;
	s14 =	sadd.s32 $0x4, s12;
	p3 =	sgt.s32 s18, $0xFFF  }
0x18: {  	s20 =	smov.u32 @p3 s14  }
0x19: {  	s17 =	simm.s32 @p2 $0x0;
	p2 =	sgt.s32 s20, $0x3  }
0x1a: {  	p1 =	slt.u32 s13, $0x2;
	s20 =	smov.u32 @p2 s7;
	p2 =	sne.s32 s13, s8  }
.Ltmp1:
0x1b: {  	s19 =	simm.s32 @!p1 $0x2;
	(pc) =	sbr.rel @!p2 .LBB1_6-.Ltmp1, $4  }
0x1c: {  	s15 =	smov.u32 s11;
	s16 =	smov.u32 s12;
	_ =	swait.ge @!p1 [sflag:s19], $0x2000  }
0x1d: {  	p0 =	por !p0, !p0;
	[sflag:s19] =	ssyncset.done @!p1 $0x0;
	s18 =	smov.u32 @p3 s2  }
0x1e: {  	s14 =	smov.u32 s10;
	[sflag:s19] =	ssyncadd.s32 @!p1 $0xFFFFE000;
	s10 =	smov.u32 s17  }
0x1f: {  	s11 =	smov.u32 s18;
	s13 =	sadd.s32 $0x1, s13;
	s12 =	smov.u32 s20  }
.LBB1_1:
0x20: {  	p1 =	sge.u32 s13, s6  }
0x21: {  	s17 =	sand.u32 @!p1 $0x1FFFFFF, s10;
	s19 =	smul.u32 @!p1 $0x180000, s12  }
0x22: {  	s18 =	smulhi.u32 @!p1 $0xAAAAAAB, s17  }
0x23: {  	s21 =	smul.u32 @!p1 $0x180, s11  }
0x24: {  	s18 =	smul.u32 @!p1 $0x18, s18  }
0x25: {  	s31 =	sadd.s32 $0xFFFFFFFF, s13;
	s19 =	sadd.s32 @!p1 s3, s19  }
0x26: {  	s20 =	sxor.u32 @!p1 $0xFFFFFFFF, s13;
	s19 =	sadd.s32 @!p1 s21, s19;
	s17 =	ssub.s32 @!p1 s17, s18  }
0x27: {  	s18 =	sshll.u32 @!p1 s20, $0xD;
	s20 =	simm.s32 @!p1 $0xC00;
	s17 =	sshll.u32 @!p1 s17, $0x4  }
0x28: {  	s18 =	sand.u32 @!p1 $0x2000, s18;
	s17 =	sadd.s32 @!p1 s17, s19;
	s19 =	simm.s32 @!p1 $0x40  }
0x29: {  	[tilespmem:s18], [sflag:$0x1] =	stream.strided.gather @!p1 [hbm4b:s17+s19], $0x2000, s20, s19, $0x38;
	[tilespmem:$0x8080] =	vst v63  }
0x2a: {  	p1 =	sge.u32 s31, s6  }
.Ltmp2:
0x2b: {  	_ = 	snop;
	(pc) =	sbr.rel @p1 .LBB1_5-.Ltmp2, $1  }
0x2c: {  	_ =	sdelay $0x3  }
0x2d: {  	s17 =	simm.s32 $0x1  }
0x2e: {  	_ =	swait.ge [sflag:s5], $0x2000;
	s17 =	simm.s32 @!p0 $0x0  }
0x2f: {  	[sflag:s5] =	ssyncset.done $0x0;
	s18 =	sshll.u32 s17, $0xD  }
0x30: {  	[sflag:s5] =	ssyncadd.s32 $0xFFFFE000;
	s21 =	sor.u32 $0x20, s18  }
0x31: {  	s17 =	smul.u32 $0x8100, s17;
	v3 =	vld [tilespmem:s21+$0x10]  }
0x32: {  	s30 =	sand.u32 $0x1, s13;
	v2 =	vld [tilespmem:s21+$0xFFFFFFF0]  }
0x33: {  	s18 =	smul.u32 $0x8100, s30;
	s17 =	sshrl.u32 s17, $0x2;
	v0 =	vld [tilespmem:s21+$0x0]  }
0x34: {  	v1 =	vld [tilespmem:s21+$0xFFFFFFE0];
	s19 =	sor.u32 $0x4000, s17  }
0x35: {  	s31 =	sshrl.u32 s18, $0x2;
	s18 =	sadd.s32 $0x0, s19  }
0x36: {  	s20 =	simm.s32 $0x4;
	s21 =	sadd.s32 $0x40, s21;
	s17 =	sor.u32 $0x4000, s31;
	[tilespmem:s18+$0x1830 ss:$0x81] =	vst.msk $0xffff, v3  }
.LBB1_3:
0x37: {  	v3 =	vld [tilespmem:s21+$0x10];
	p1 =	sne.s32 s20, $0x1FC;
	[tilespmem:s18+$0x810 ss:$0x81] =	vst.msk $0xffff, v2;
	s22 =	smov.u32 s20;
	s20 =	sadd.s32 $0x4, s20  }
.Ltmp3:
0x38: {  	v2 =	vld [tilespmem:s21+$0xFFFFFFF0];
	[tilespmem:s18+$0x1020 ss:$0x81] =	vst.msk $0xffff, v0;
	(pc) =	sbr.rel @p1 .LBB1_3-.Ltmp3, $4  }
0x39: {  	v0 =	vld [tilespmem:s21+$0x0];
	[tilespmem:s18+$0x0 ss:$0x81] =	vst.msk $0xffff, v1  }
0x3a: {  	s18 =	sshra.s32 s22, $0x2;
	v1 =	vld [tilespmem:s21+$0xFFFFFFE0]  }
0x3b: {  	s18 =	sadd.s32 s18, s19  }
0x3c: {  	s21 =	sadd.s32 $0x40, s21;
	[tilespmem:s18+$0x1830 ss:$0x81] =	vst.msk $0xffff, v3  }
.Ltmp4:
0x3d: {  	_ = 	snop;
	(pc) =	sbr.rel .LBB1_4-.Ltmp4, $1  }
0x3e: {  	_ =	sdelay $0x3  }
.LBB1_6:
0x3f: {  	_ =	sfence.sel $0x180000  }
0x40: {  	s2 =	simm.s32 $0x1;
	[bflag:$0x0] =	sbarrier.arrive $0xFFFF  }
0x41: {  	s31 =	simm.s32 $0x2;
	[sflag:s2] =	ssyncpa.u1 $0x1  }
0x42: {  	[sflag:s31] =	ssyncpa.u1 $0x1  }
0x43: {  	p0 =	sne.s32 s0, $0x0;
	_ =	strace $0x90000047  }
0x44: {  	s0 =	sadd.s32 @!p0 $0x100000, s1;
	[bflag:$0x2] =	sbarrier.arrive $0xFFFF  }
0x45: {  	[sflag:s0] =	ssyncadd.tile.s32 @!p0 $0x1;
	_ =	shalt  }
.Lfunc_end1:
_tile_overlayer_lowered:
.L_overlay_start_2:
0x46: {  	(tag) =	ssettag $0x2  }
0x47: {  	s0 =	rddreg [dreg:$0x0];
	s2 =	stileid.u32  }
0x48: {  	s1 =	rddreg [dreg:$0x1];
	p0 =	sne.s32 s2, $0x0  }
0x49: {  	s3 =	rddreg [dreg:$0x2];
	[bflag:$0x3] =	sbarrier.arrive $0xFFFF;
	s2 =	simm.s32 @!p0 $0x1C01  }
0x4a: {  	[timem:s3], [sflag:s2] =	dma.local @!p0 [hbm:s0], s1  }
0x4b: {  	s0 =	simm.s32 @!p0 $0x1  }
0x4c: {  	_ =	swait.ge @!p0 [sflag:s0], s1  }
0x4d: {  	s1 =	ssub.s32 @!p0 $0x0, s1;
	[sflag:s0] =	ssyncset.done @!p0 $0x0  }
0x4e: {  	[sflag:s0] =	ssyncadd.s32 @!p0 s1  }
0x4f: {  	[bflag:$0x3] =	sbarrier.arrive $0xFFFF  }
0x50: {  	_ =	shalt  }

</sc_bundles>
